<compile_context>
chip_gen: v7x
topology: tpu7x:2x2x1
jax: 0.10.2.dev20260603
libtpu: 0.0.44.dev20260713+nightly
codegen_flags: <defaults>
</compile_context>

<pallas_src>
import functools

import jax
import jax.numpy as jnp
import numpy as np
from jax import lax
from jax.experimental import pallas as pl
from jax.experimental.pallas import tpu as pltpu
from jax.experimental.pallas import tpu_sc as plsc

L = 16
NC, NS = 2, 16
NW = NC * NS
K_TOP = 100

N_KEYS = 1000000
D = 64
N_SCORES = 1003520
CHUNK = N_SCORES // NW
NVREG = CHUNK // L
BP = 10240
GRID = N_SCORES // BP

BUF = 288
NBUF = BUF // L
CAP = 256
CAP_KEEP = 240
NEG = float("-inf")
SIGN = np.uint32(0x80000000)
LOW = np.uint32(0x7FFFFFFF)



def _score_body(k_ref, w_ref, one_ref, o_ref):
    pid = pl.program_id(0)
    kb = k_ref[...]
    w = w_ref[...]
    ones = one_ref[...]
    qn = w / jnp.maximum(jnp.sqrt(jnp.sum(w * w)), 1e-8)
    kb2 = kb * kb
    hi = kb2.astype(jnp.bfloat16).astype(jnp.float32)
    lo = kb2 - hi
    n2 = (jnp.dot(hi, ones, preferred_element_type=jnp.float32)
          + jnp.dot(lo, ones, preferred_element_type=jnp.float32))
    norm = jnp.maximum(jnp.sqrt(n2), 1e-8)
    kn = kb / norm
    dots = jnp.dot(kn, qn, preferred_element_type=jnp.float32)
    gi = pid * BP + lax.broadcasted_iota(jnp.int32, (BP, 1), 0)
    s = jnp.where(gi < N_KEYS, dots, jnp.float32(NEG))
    o_ref[...] = s[:, 0]


_score_call = pl.pallas_call(
    _score_body,
    grid=(GRID,),
    in_specs=[
        pl.BlockSpec((BP, D), lambda i: (i, 0)),
        pl.BlockSpec((D, 1), lambda i: (0, 0)),
        pl.BlockSpec((D, 1), lambda i: (0, 0)),
    ],
    out_specs=pl.BlockSpec((BP,), lambda i: (i,)),
    out_shape=jax.ShapeDtypeStruct((N_SCORES,), jnp.float32),
)



def _lanes():
    return lax.iota(jnp.int32, L)


def _to_sortable(v):
    u = plsc.bitcast(v, jnp.uint32)
    return jnp.where(u >= SIGN, ~u, u | SIGN)


def _from_sortable_scalar(tau):
    tv = jnp.full((L,), tau, dtype=jnp.uint32)
    sv = jnp.where(tv >= SIGN, tv & LOW, ~tv)
    return jnp.max(plsc.bitcast(sv, jnp.float32))



_MESH = plsc.VectorSubcoreMesh(core_axis_name="c", subcore_axis_name="s")


@functools.partial(
    pl.kernel,
    out_type=[
        jax.ShapeDtypeStruct((NW, 128), jnp.float32),
        jax.ShapeDtypeStruct((NW, 128), jnp.int32),
    ],
    mesh=_MESH,
    compiler_params=pltpu.CompilerParams(needs_layout_passes=False),
    scratch_types=[
        pltpu.VMEM((CHUNK,), jnp.float32),
        pltpu.VMEM((BUF,), jnp.float32),
        pltpu.VMEM((BUF,), jnp.int32),
        pltpu.VMEM((BUF,), jnp.uint32),
        pltpu.VMEM((128,), jnp.float32),
        pltpu.VMEM((128,), jnp.int32),
    ],
)
def _topk_kernel(scores_hbm, cand_v_hbm, cand_i_hbm,
                 sv, vbuf, ibuf, ubuf, stg_v, stg_i):
    wid = lax.axis_index("s") * NC + lax.axis_index("c")
    base = wid * CHUNK
    lanes = _lanes()
    pltpu.sync_copy(scores_hbm.at[pl.ds(base, CHUNK)], sv)

    def _rebuild(pos):
        def _stage(j, carry):
            vj = vbuf[pl.ds(j * L, L)]
            valid = (j * L + lanes) < pos
            ubuf[pl.ds(j * L, L)] = jnp.where(valid, _to_sortable(vj),
                                              jnp.uint32(0))
            return carry

        lax.fori_loop(0, NBUF, _stage, jnp.int32(0))

        def _bit_step(i, prefix):
            t = prefix | (jnp.uint32(1) << (jnp.uint32(31) - i.astype(jnp.uint32)))
            acc = jnp.zeros((L,), jnp.int32)
            for j in range(NBUF):
                acc = acc + plsc.all_reduce_population_count(
                    ubuf[pl.ds(j * L, L)] >= t)
            return jnp.where(jnp.max(acc) >= K_TOP, t, prefix)

        tau = lax.fori_loop(0, 32, _bit_step, jnp.uint32(0))
        theta = _from_sortable_scalar(tau)

        def _compact(j, newpos):
            vj = vbuf[pl.ds(j * L, L)]
            ij = ibuf[pl.ds(j * L, L)]
            mj = ubuf[pl.ds(j * L, L)] >= tau
            csum = plsc.cumsum(jnp.where(mj, 1, 0))
            keep = mj & ((newpos + csum) <= CAP_KEEP)
            plsc.store_compressed(vbuf.at[pl.ds(newpos, L)], vj, mask=keep)
            plsc.store_compressed(ibuf.at[pl.ds(newpos, L)], ij, mask=keep)
            return newpos + jnp.max(plsc.all_reduce_population_count(keep))

        newpos = lax.fori_loop(0, NBUF, _compact, jnp.int32(0))
        return theta, newpos

    def _body(i, carry):
        theta, pos = carry
        theta, pos = lax.cond(pos >= CAP, _rebuild,
                              lambda p: (theta, p), pos)
        v = sv[pl.ds(i * L, L)]
        m = v > theta
        plsc.store_compressed(vbuf.at[pl.ds(pos, L)], v, mask=m)
        iv = (base + i * L) + lanes
        plsc.store_compressed(ibuf.at[pl.ds(pos, L)], iv, mask=m)
        cnt = jnp.max(plsc.all_reduce_population_count(m))
        return theta, pos + cnt

    _, pos = lax.fori_loop(0, NVREG, _body,
                           (jnp.float32(NEG), jnp.int32(0)))
    _, pos = _rebuild(pos)

    negv = jnp.full((L,), NEG, jnp.float32)
    for j in range(8):
        stg_v[pl.ds(j * L, L)] = negv
        stg_i[pl.ds(j * L, L)] = jnp.zeros((L,), jnp.int32)

    posvecs = [j * L + lanes for j in range(NBUF)]
    ws0 = tuple(
        jnp.where(posvecs[j] < pos, vbuf[pl.ds(j * L, L)], jnp.float32(NEG))
        for j in range(NBUF))
    lane0 = lanes == 0

    def _sel_body(t, ws):
        ws = list(ws)
        mx = ws[0]
        for j in range(1, NBUF):
            mx = jnp.maximum(mx, ws[j])
        m = jnp.max(mx)
        pb = jnp.full((L,), BUF, jnp.int32)
        for j in range(NBUF):
            pb = jnp.minimum(pb, jnp.where(ws[j] == m, posvecs[j],
                                           jnp.int32(BUF)))
        p = jnp.min(pb)
        ivec = plsc.load_gather(ibuf, [jnp.full((L,), p, jnp.int32)])
        tvec = jnp.full((L,), t, jnp.int32)
        plsc.store_scatter(stg_v, [tvec], jnp.full((L,), m, jnp.float32),
                           mask=lane0)
        plsc.store_scatter(stg_i, [tvec], ivec, mask=lane0)
        ws = [jnp.where(posvecs[j] == p, jnp.float32(NEG), ws[j])
              for j in range(NBUF)]
        return tuple(ws)

    lax.fori_loop(0, K_TOP, _sel_body, ws0)

    pltpu.sync_copy(stg_v, cand_v_hbm.at[wid])
    pltpu.sync_copy(stg_i, cand_i_hbm.at[wid])



@functools.partial(
    pl.kernel,
    out_type=[
        jax.ShapeDtypeStruct((112,), jnp.float32),
        jax.ShapeDtypeStruct((112,), jnp.int32),
    ],
    mesh=_MESH,
    compiler_params=pltpu.CompilerParams(needs_layout_passes=False),
    scratch_types=[
        pltpu.VMEM((NW * 128,), jnp.float32),
        pltpu.VMEM((NW * 128,), jnp.int32),
        pltpu.VMEM((112,), jnp.float32),
        pltpu.VMEM((112,), jnp.int32),
    ],
)
def _merge_kernel(cv_hbm, ci_hbm, out_v_hbm, out_i_hbm,
                  cvv, civ, stg_v, stg_i):
    wid = lax.axis_index("s") * NC + lax.axis_index("c")
    lanes = _lanes()
    lane0 = lanes == 0

    @pl.when(wid == 0)
    def _():
        pltpu.sync_copy(cv_hbm, cvv)
        pltpu.sync_copy(ci_hbm, civ)
        negv = jnp.full((L,), NEG, jnp.float32)
        for j in range(7):
            stg_v[pl.ds(j * L, L)] = negv
            stg_i[pl.ds(j * L, L)] = jnp.zeros((L,), jnp.int32)

        big = jnp.int32(NW * 128)

        def _mb(t, carry):
            o0, o1 = carry
            p0 = lanes * 128 + o0
            p1 = (lanes + 16) * 128 + o1
            h0 = plsc.load_gather(cvv, [p0])
            h1 = plsc.load_gather(cvv, [p1])
            m = jnp.max(jnp.maximum(h0, h1))
            c0 = jnp.where(h0 == m, p0, big)
            c1 = jnp.where(h1 == m, p1, big)
            pm = jnp.min(jnp.minimum(c0, c1))
            ivec = plsc.load_gather(civ, [jnp.full((L,), pm, jnp.int32)])
            tvec = jnp.full((L,), t, jnp.int32)
            plsc.store_scatter(stg_v, [tvec], jnp.full((L,), m, jnp.float32),
                               mask=lane0)
            plsc.store_scatter(stg_i, [tvec], ivec, mask=lane0)
            o0 = o0 + jnp.where(p0 == pm, 1, 0)
            o1 = o1 + jnp.where(p1 == pm, 1, 0)
            return o0, o1

        z = jnp.zeros((L,), jnp.int32)
        lax.fori_loop(0, K_TOP, _mb, (z, z))
        pltpu.sync_copy(stg_v, out_v_hbm)
        pltpu.sync_copy(stg_i, out_i_hbm)



def kernel(queries, keys, top_num):
    del top_num
    w = queries.reshape(D, 1).astype(jnp.float32)
    ones = jnp.ones((D, 1), jnp.float32)

    scores = _score_call(keys, w, ones)
    cand_v, cand_i = _topk_kernel(scores)
    out_v, out_i = _merge_kernel(cand_v.reshape(-1), cand_i.reshape(-1))
    return out_v[None, :K_TOP], out_i[None, :K_TOP]

# --- scband reference (transcript-rebuilt; emitter-appended) ---
"""Pipeline reference for scband-search-11922829213965 (READ-ONLY COPY).

The authoritative reference and input builder live on the scoring server;
editing this copy changes nothing except your own understanding.
"""

import jax, jax.numpy as jnp
import numpy as np


def setup_inputs(seed: int = 0) -> dict:
    key = jax.random.key(seed)
    k1, k2 = jax.random.split(key)
    queries = jax.random.normal(k1, (1, 64), dtype=jnp.float32)
    keys = jax.random.normal(k2, (1000000, 64), dtype=jnp.float32)
    return {"queries": queries, "keys": keys, "top_num": 100}


def reference(queries, keys, top_num):
    # Faithful to Search.forward: cosine similarity between query feature and
    # every precomputed database feature, then keep the top `top_num` results
    # sorted by descending similarity.
    qn = queries / jnp.clip(jnp.linalg.norm(queries, axis=-1, keepdims=True), 1e-8, None)
    kn = keys / jnp.clip(jnp.linalg.norm(keys, axis=-1, keepdims=True), 1e-8, None)
    sims = qn @ kn.T  # [Q, K] cosine similarities
    top_vals, top_idx = jax.lax.top_k(sims, 100)  # sorted descending, like result.sort(reverse=True)
    top_idx = top_idx + (top_num - top_num)
    return top_vals, top_idx

if __name__ == "__main__":
    import jax
    _d = setup_inputs()
    print(jax.jit(kernel)(*tuple(_d.values())))

</pallas_src>

<mosaic_0001>
#map = affine_map<(d0, d1) -> (0)>
module attributes {stable_mosaic.version = 14 : i64} {
  func.func @_merge_kernel(%arg0: i32, %arg1: i32, %arg2: memref<4096xf32, #tpu.memory_space<hbm>>, %arg3: memref<4096xi32, #tpu.memory_space<hbm>>, %arg4: memref<112xf32, #tpu.memory_space<hbm>>, %arg5: memref<112xi32, #tpu.memory_space<hbm>>, %arg6: memref<4096xf32, #tpu.memory_space<vmem>>, %arg7: memref<4096xi32, #tpu.memory_space<vmem>>, %arg8: memref<112xf32, #tpu.memory_space<vmem>>, %arg9: memref<112xi32, #tpu.memory_space<vmem>>) attributes {dimension_semantics = [#tpu.dimension_semantics<core_parallel>, #tpu.dimension_semantics<subcore_parallel>], iteration_bounds = array<i64: 2, 16>, scalar_prefetch = 0 : i64, scratch_operands = 4 : i64, tpu.core_type = #tpu.core_type<sc_vector_subcore>, window_params = [{transform_indices = #map}, {transform_indices = #map}, {transform_indices = #map}, {transform_indices = #map}]} {
    %mul3A = arith.constant 2 : i32
    %mul3A_0 = arith.muli %arg1, %mul3A : i32
    %add3A = arith.addi %mul3A_0, %arg0 : i32
    %iota3A = tpu.iota {dimensions = array<i32: 0>} : vector<16xi32>
    %eq3A = arith.constant 0 : i32
    %eq3A_1 = vector.broadcast %eq3A : i32 to vector<16xi32>
    %eq3A_2 = arith.cmpi eq, %iota3A, %eq3A_1 : vector<16xi32>
    %eq3A_3 = arith.constant 0 : i32
    %eq3A_4 = arith.cmpi eq, %add3A, %eq3A_3 : i32
    %convert_element_type3A = arith.extui %eq3A_4 : i1 to i32
    %cond3A = arith.constant 0 : i32
    %cond3A_5 = arith.cmpi ne, %convert_element_type3A, %cond3A : i32
    scf.if %cond3A_5 {
      "tpu.region"() ({
        %run_scoped3A = tpu.sem_alloc : memref<!tpu.dma_semaphore, #tpu.memory_space<semaphore_mem>>
        tpu.enqueue_dma source(%arg2 : memref<4096xf32, #tpu.memory_space<hbm>>) target(%arg6 : memref<4096xf32, #tpu.memory_space<vmem>>) target_semaphore(%run_scoped3A : memref<!tpu.dma_semaphore, #tpu.memory_space<semaphore_mem>>)
        tpu.wait_dma2 semaphore(%run_scoped3A : memref<!tpu.dma_semaphore, #tpu.memory_space<semaphore_mem>>) src(%arg2 : memref<4096xf32, #tpu.memory_space<hbm>>) dst(%arg6 : memref<4096xf32, #tpu.memory_space<vmem>>)
        tpu.yield
      }) : () -> ()
      "tpu.region"() ({
        %run_scoped3A = tpu.sem_alloc : memref<!tpu.dma_semaphore, #tpu.memory_space<semaphore_mem>>
        tpu.enqueue_dma source(%arg3 : memref<4096xi32, #tpu.memory_space<hbm>>) target(%arg7 : memref<4096xi32, #tpu.memory_space<vmem>>) target_semaphore(%run_scoped3A : memref<!tpu.dma_semaphore, #tpu.memory_space<semaphore_mem>>)
        tpu.wait_dma2 semaphore(%run_scoped3A : memref<!tpu.dma_semaphore, #tpu.memory_space<semaphore_mem>>) src(%arg3 : memref<4096xi32, #tpu.memory_space<hbm>>) dst(%arg7 : memref<4096xi32, #tpu.memory_space<vmem>>)
        tpu.yield
      }) : () -> ()
      %broadcast_in_dim3A = arith.constant 0xFF800000 : f32
      %broadcast_in_dim3A_6 = vector.broadcast %broadcast_in_dim3A : f32 to vector<16xf32>
      %swap3A = arith.constant 0 : index
      %swap3A_7 = tpu.vector_load %arg8[%swap3A] {strides = array<i32>} : memref<112xf32, #tpu.memory_space<vmem>>, vector<16xf32>,
      tpu.vector_store %arg8[%swap3A], %broadcast_in_dim3A_6 {strides = array<i32>} : memref<112xf32, #tpu.memory_space<vmem>>, vector<16xf32>,
      %broadcast_in_dim3A_8 = arith.constant 0 : i32
      %broadcast_in_dim3A_9 = vector.broadcast %broadcast_in_dim3A_8 : i32 to vector<16xi32>
      %swap3A_10 = arith.constant 0 : index
      %swap3A_11 = tpu.vector_load %arg9[%swap3A_10] {strides = array<i32>} : memref<112xi32, #tpu.memory_space<vmem>>, vector<16xi32>,
      tpu.vector_store %arg9[%swap3A_10], %broadcast_in_dim3A_9 {strides = array<i32>} : memref<112xi32, #tpu.memory_space<vmem>>, vector<16xi32>,
      %swap3A_12 = arith.constant 16 : index
      %swap3A_13 = tpu.vector_load %arg8[%swap3A_12] {strides = array<i32>} : memref<112xf32, #tpu.memory_space<vmem>>, vector<16xf32>,
      tpu.vector_store %arg8[%swap3A_12], %broadcast_in_dim3A_6 {strides = array<i32>} : memref<112xf32, #tpu.memory_space<vmem>>, vector<16xf32>,
      %broadcast_in_dim3A_14 = arith.constant 0 : i32
      %broadcast_in_dim3A_15 = vector.broadcast %broadcast_in_dim3A_14 : i32 to vector<16xi32>
      %swap3A_16 = arith.constant 16 : index
      %swap3A_17 = tpu.vector_load %arg9[%swap3A_16] {strides = array<i32>} : memref<112xi32, #tpu.memory_space<vmem>>, vector<16xi32>,
      tpu.vector_store %arg9[%swap3A_16], %broadcast_in_dim3A_15 {strides = array<i32>} : memref<112xi32, #tpu.memory_space<vmem>>, vector<16xi32>,
      %swap3A_18 = arith.constant 32 : index
      %swap3A_19 = tpu.vector_load %arg8[%swap3A_18] {strides = array<i32>} : memref<112xf32, #tpu.memory_space<vmem>>, vector<16xf32>,
      tpu.vector_store %arg8[%swap3A_18], %broadcast_in_dim3A_6 {strides = array<i32>} : memref<112xf32, #tpu.memory_space<vmem>>, vector<16xf32>,
      %broadcast_in_dim3A_20 = arith.constant 0 : i32
      %broadcast_in_dim3A_21 = vector.broadcast %broadcast_in_dim3A_20 : i32 to vector<16xi32>
      %swap3A_22 = arith.constant 32 : index
      %swap3A_23 = tpu.vector_load %arg9[%swap3A_22] {strides = array<i32>} : memref<112xi32, #tpu.memory_space<vmem>>, vector<16xi32>,
      tpu.vector_store %arg9[%swap3A_22], %broadcast_in_dim3A_21 {strides = array<i32>} : memref<112xi32, #tpu.memory_space<vmem>>, vector<16xi32>,
      %swap3A_24 = arith.constant 48 : index
      %swap3A_25 = tpu.vector_load %arg8[%swap3A_24] {strides = array<i32>} : memref<112xf32, #tpu.memory_space<vmem>>, vector<16xf32>,
      tpu.vector_store %arg8[%swap3A_24], %broadcast_in_dim3A_6 {strides = array<i32>} : memref<112xf32, #tpu.memory_space<vmem>>, vector<16xf32>,
      %broadcast_in_dim3A_26 = arith.constant 0 : i32
      %broadcast_in_dim3A_27 = vector.broadcast %broadcast_in_dim3A_26 : i32 to vector<16xi32>
      %swap3A_28 = arith.constant 48 : index
      %swap3A_29 = tpu.vector_load %arg9[%swap3A_28] {strides = array<i32>} : memref<112xi32, #tpu.memory_space<vmem>>, vector<16xi32>,
      tpu.vector_store %arg9[%swap3A_28], %broadcast_in_dim3A_27 {strides = array<i32>} : memref<112xi32, #tpu.memory_space<vmem>>, vector<16xi32>,
      %swap3A_30 = arith.constant 64 : index
      %swap3A_31 = tpu.vector_load %arg8[%swap3A_30] {strides = array<i32>} : memref<112xf32, #tpu.memory_space<vmem>>, vector<16xf32>,
      tpu.vector_store %arg8[%swap3A_30], %broadcast_in_dim3A_6 {strides = array<i32>} : memref<112xf32, #tpu.memory_space<vmem>>, vector<16xf32>,
      %broadcast_in_dim3A_32 = arith.constant 0 : i32
      %broadcast_in_dim3A_33 = vector.broadcast %broadcast_in_dim3A_32 : i32 to vector<16xi32>
      %swap3A_34 = arith.constant 64 : index
      %swap3A_35 = tpu.vector_load %arg9[%swap3A_34] {strides = array<i32>} : memref<112xi32, #tpu.memory_space<vmem>>, vector<16xi32>,
      tpu.vector_store %arg9[%swap3A_34], %broadcast_in_dim3A_33 {strides = array<i32>} : memref<112xi32, #tpu.memory_space<vmem>>, vector<16xi32>,
      %swap3A_36 = arith.constant 80 : index
      %swap3A_37 = tpu.vector_load %arg8[%swap3A_36] {strides = array<i32>} : memref<112xf32, #tpu.memory_space<vmem>>, vector<16xf32>,
      tpu.vector_store %arg8[%swap3A_36], %broadcast_in_dim3A_6 {strides = array<i32>} : memref<112xf32, #tpu.memory_space<vmem>>, vector<16xf32>,
      %broadcast_in_dim3A_38 = arith.constant 0 : i32
      %broadcast_in_dim3A_39 = vector.broadcast %broadcast_in_dim3A_38 : i32 to vector<16xi32>
      %swap3A_40 = arith.constant 80 : index
      %swap3A_41 = tpu.vector_load %arg9[%swap3A_40] {strides = array<i32>} : memref<112xi32, #tpu.memory_space<vmem>>, vector<16xi32>,
      tpu.vector_store %arg9[%swap3A_40], %broadcast_in_dim3A_39 {strides = array<i32>} : memref<112xi32, #tpu.memory_space<vmem>>, vector<16xi32>,
      %swap3A_42 = arith.constant 96 : index
      %swap3A_43 = tpu.vector_load %arg8[%swap3A_42] {strides = array<i32>} : memref<112xf32, #tpu.memory_space<vmem>>, vector<16xf32>,
      tpu.vector_store %arg8[%swap3A_42], %broadcast_in_dim3A_6 {strides = array<i32>} : memref<112xf32, #tpu.memory_space<vmem>>, vector<16xf32>,
      %broadcast_in_dim3A_44 = arith.constant 0 : i32
      %broadcast_in_dim3A_45 = vector.broadcast %broadcast_in_dim3A_44 : i32 to vector<16xi32>
      %swap3A_46 = arith.constant 96 : index
      %swap3A_47 = tpu.vector_load %arg9[%swap3A_46] {strides = array<i32>} : memref<112xi32, #tpu.memory_space<vmem>>, vector<16xi32>,
      tpu.vector_store %arg9[%swap3A_46], %broadcast_in_dim3A_45 {strides = array<i32>} : memref<112xi32, #tpu.memory_space<vmem>>, vector<16xi32>,
      %broadcast_in_dim3A_48 = arith.constant 0 : i32
      %broadcast_in_dim3A_49 = vector.broadcast %broadcast_in_dim3A_48 : i32 to vector<16xi32>
      %scan3A = arith.constant 4096 : i32
      %scan3A_50 = arith.constant 0 : i32
      %scan3A_51 = arith.constant 100 : i32
      %scan3A_52 = arith.addi %scan3A_50, %scan3A_51 : i32
      %scan3A_53 = arith.constant 1 : i32
      %scan3A_54:2 = scf.for %scan3A_56 = %scan3A_50 to %scan3A_52 step %scan3A_53 iter_args(%scan3A_57 = %broadcast_in_dim3A_49, %scan3A_58 = %broadcast_in_dim3A_49) -> (vector<16xi32>, vector<16xi32>)  : i32 {
        %mul3A_59 = arith.constant 128 : i32
        %mul3A_60 = vector.broadcast %mul3A_59 : i32 to vector<16xi32>
        %mul3A_61 = arith.muli %iota3A, %mul3A_60 : vector<16xi32>
        %add3A_62 = arith.addi %mul3A_61, %scan3A_57 : vector<16xi32>
        %add3A_63 = arith.constant 16 : i32
        %add3A_64 = vector.broadcast %add3A_63 : i32 to vector<16xi32>
        %add3A_65 = arith.addi %iota3A, %add3A_64 : vector<16xi32>
        %mul3A_66 = arith.constant 128 : i32
        %mul3A_67 = vector.broadcast %mul3A_66 : i32 to vector<16xi32>
        %mul3A_68 = arith.muli %add3A_65, %mul3A_67 : vector<16xi32>
        %add3A_69 = arith.addi %mul3A_68, %scan3A_58 : vector<16xi32>
        %gather3A = tpu.vector_load_idx %arg6[%add3A_62] : memref<4096xf32, #tpu.memory_space<vmem>>[vector<16xi32>], vector<16xf32>,
        %gather3A_70 = tpu.vector_load_idx %arg6[%add3A_69] : memref<4096xf32, #tpu.memory_space<vmem>>[vector<16xi32>], vector<16xf32>,
        %max3A = arith.maximumf %gather3A, %gather3A_70 : vector<16xf32>
        %reduce_max3A = arith.constant true
        %reduce_max3A_71 = vector.broadcast %reduce_max3A : i1 to vector<16xi1>
        %reduce_max3A_72 = tpu.scan <max>, %max3A masked %reduce_max3A_71 : vector<16xf32>, vector<16xi1> -> vector<16xf32>
        %reduce_max3A_73 = vector.extract %reduce_max3A_72[15] : f32 from vector<16xf32>
        %eq3A_74 = vector.broadcast %reduce_max3A_73 : f32 to vector<16xf32>
        %eq3A_75 = arith.cmpf oeq, %gather3A, %eq3A_74 : vector<16xf32>
        %broadcast_in_dim3A_76 = vector.broadcast %scan3A : i32 to vector<16xi32>
        %select_n3A = arith.select %eq3A_75, %add3A_62, %broadcast_in_dim3A_76 : vector<16xi1>, vector<16xi32>
        %eq3A_77 = vector.broadcast %reduce_max3A_73 : f32 to vector<16xf32>
        %eq3A_78 = arith.cmpf oeq, %gather3A_70, %eq3A_77 : vector<16xf32>
        %broadcast_in_dim3A_79 = vector.broadcast %scan3A : i32 to vector<16xi32>
        %select_n3A_80 = arith.select %eq3A_78, %add3A_69, %broadcast_in_dim3A_79 : vector<16xi1>, vector<16xi32>
        %min3A = arith.minsi %select_n3A, %select_n3A_80 : vector<16xi32>
        %reduce_min3A = arith.constant true
        %reduce_min3A_81 = vector.broadcast %reduce_min3A : i1 to vector<16xi1>
        %reduce_min3A_82 = arith.constant -2147483648 : i32
        %reduce_min3A_83 = vector.broadcast %reduce_min3A_82 : i32 to vector<16xi32>
        %reduce_min3A_84 = arith.xori %min3A, %reduce_min3A_83 : vector<16xi32>
        %reduce_min3A_85 = tpu.scan <min>, %reduce_min3A_84 masked %reduce_min3A_81 : vector<16xi32>, vector<16xi1> -> vector<16xi32>
        %reduce_min3A_86 = arith.xori %reduce_min3A_85, %reduce_min3A_83 : vector<16xi32>
        %reduce_min3A_87 = vector.extract %reduce_min3A_86[15] : i32 from vector<16xi32>
        %broadcast_in_dim3A_88 = vector.broadcast %reduce_min3A_87 : i32 to vector<16xi32>
        %gather3A_89 = tpu.vector_load_idx %arg7[%broadcast_in_dim3A_88] : memref<4096xi32, #tpu.memory_space<vmem>>[vector<16xi32>], vector<16xi32>,
        %broadcast_in_dim3A_90 = vector.broadcast %scan3A_56 : i32 to vector<16xi32>
        %broadcast_in_dim3A_91 = vector.broadcast %reduce_max3A_73 : f32 to vector<16xf32>
        tpu.vector_store_idx %arg8[%broadcast_in_dim3A_90], %broadcast_in_dim3A_91 masked %eq3A_2 : memref<112xf32, #tpu.memory_space<vmem>>[vector<16xi32>], vector<16xf32>, vector<16xi1>
        tpu.vector_store_idx %arg9[%broadcast_in_dim3A_90], %gather3A_89 masked %eq3A_2 : memref<112xi32, #tpu.memory_space<vmem>>[vector<16xi32>], vector<16xi32>, vector<16xi1>
        %eq3A_92 = vector.broadcast %reduce_min3A_87 : i32 to vector<16xi32>
        %eq3A_93 = arith.cmpi eq, %add3A_62, %eq3A_92 : vector<16xi32>
        %jit3A = arith.constant 1 : i32
        %jit3A_94 = arith.constant 0 : i32
        %broadcast_in_dim3A_95 = vector.broadcast %jit3A : i32 to vector<16xi32>
        %broadcast_in_dim3A_96 = vector.broadcast %jit3A_94 : i32 to vector<16xi32>
        %select_n3A_97 = arith.select %eq3A_93, %broadcast_in_dim3A_95, %broadcast_in_dim3A_96 : vector<16xi1>, vector<16xi32>
        %add3A_98 = arith.addi %scan3A_57, %select_n3A_97 : vector<16xi32>
        %eq3A_99 = vector.broadcast %reduce_min3A_87 : i32 to vector<16xi32>
        %eq3A_100 = arith.cmpi eq, %add3A_69, %eq3A_99 : vector<16xi32>
        %jit3A_101 = arith.constant 1 : i32
        %jit3A_102 = arith.constant 0 : i32
        %broadcast_in_dim3A_103 = vector.broadcast %jit3A_101 : i32 to vector<16xi32>
        %broadcast_in_dim3A_104 = vector.broadcast %jit3A_102 : i32 to vector<16xi32>
        %select_n3A_105 = arith.select %eq3A_100, %broadcast_in_dim3A_103, %broadcast_in_dim3A_104 : vector<16xi1>, vector<16xi32>
        %add3A_106 = arith.addi %scan3A_58, %select_n3A_105 : vector<16xi32>
        scf.yield %add3A_98, %add3A_106 : vector<16xi32>, vector<16xi32>
      }
      %scan3A_55 = arith.constant 100 : i32
      "tpu.region"() ({
        %run_scoped3A = tpu.sem_alloc : memref<!tpu.dma_semaphore, #tpu.memory_space<semaphore_mem>>
        tpu.enqueue_dma source(%arg8 : memref<112xf32, #tpu.memory_space<vmem>>) target(%arg4 : memref<112xf32, #tpu.memory_space<hbm>>) target_semaphore(%run_scoped3A : memref<!tpu.dma_semaphore, #tpu.memory_space<semaphore_mem>>)
        tpu.wait_dma2 semaphore(%run_scoped3A : memref<!tpu.dma_semaphore, #tpu.memory_space<semaphore_mem>>) src(%arg8 : memref<112xf32, #tpu.memory_space<vmem>>) dst(%arg4 : memref<112xf32, #tpu.memory_space<hbm>>)
        tpu.yield
      }) : () -> ()
      "tpu.region"() ({
        %run_scoped3A = tpu.sem_alloc : memref<!tpu.dma_semaphore, #tpu.memory_space<semaphore_mem>>
        tpu.enqueue_dma source(%arg9 : memref<112xi32, #tpu.memory_space<vmem>>) target(%arg5 : memref<112xi32, #tpu.memory_space<hbm>>) target_semaphore(%run_scoped3A : memref<!tpu.dma_semaphore, #tpu.memory_space<semaphore_mem>>)
        tpu.wait_dma2 semaphore(%run_scoped3A : memref<!tpu.dma_semaphore, #tpu.memory_space<semaphore_mem>>) src(%arg9 : memref<112xi32, #tpu.memory_space<vmem>>) dst(%arg5 : memref<112xi32, #tpu.memory_space<hbm>>)
        tpu.yield
      }) : () -> ()
    } else {
    }
    return
  }
}

#map = affine_map<(d0, d1) -> (0)>
#map1 = affine_map<(d0, d1) -> (0, 0)>
module attributes {stable_mosaic.version = 14 : i64} {
  func.func @_topk_kernel(%arg0: i32, %arg1: i32, %arg2: memref<1003520xf32, #tpu.memory_space<hbm>>, %arg3: memref<32x128xf32, #tpu.memory_space<hbm>>, %arg4: memref<32x128xi32, #tpu.memory_space<hbm>>, %arg5: memref<31360xf32, #tpu.memory_space<vmem>>, %arg6: memref<288xf32, #tpu.memory_space<vmem>>, %arg7: memref<288xi32, #tpu.memory_space<vmem>>, %arg8: memref<288xi32, #tpu.memory_space<vmem>>, %arg9: memref<128xf32, #tpu.memory_space<vmem>>, %arg10: memref<128xi32, #tpu.memory_space<vmem>>) attributes {dimension_semantics = [#tpu.dimension_semantics<core_parallel>, #tpu.dimension_semantics<subcore_parallel>], iteration_bounds = array<i64: 2, 16>, scalar_prefetch = 0 : i64, scratch_operands = 6 : i64, tpu.core_type = #tpu.core_type<sc_vector_subcore>, window_params = [{transform_indices = #map}, {transform_indices = #map1}, {transform_indices = #map1}]} {
    %mul3A = arith.constant 2 : i32
    %mul3A_0 = arith.muli %arg1, %mul3A : i32
    %add3A = arith.addi %mul3A_0, %arg0 : i32
    %mul3A_1 = arith.constant 31360 : i32
    %mul3A_2 = arith.muli %add3A, %mul3A_1 : i32
    %iota3A = tpu.iota {dimensions = array<i32: 0>} : vector<16xi32>
    "tpu.region"() ({
      %run_scoped3A = tpu.sem_alloc : memref<!tpu.dma_semaphore, #tpu.memory_space<semaphore_mem>>
      %dma_start3A = tpu.memref_slice %arg2[%mul3A_2] : memref<1003520xf32, #tpu.memory_space<hbm>> -> memref<31360xf32, #tpu.memory_space<hbm>>
      %dma_start3A_272 = tpu.memref_slice %arg2[%mul3A_2] : memref<1003520xf32, #tpu.memory_space<hbm>> -> memref<31360xf32, #tpu.memory_space<hbm>>
      tpu.enqueue_dma source(%dma_start3A_272 : memref<31360xf32, #tpu.memory_space<hbm>>) target(%arg5 : memref<31360xf32, #tpu.memory_space<vmem>>) target_semaphore(%run_scoped3A : memref<!tpu.dma_semaphore, #tpu.memory_space<semaphore_mem>>)
      %dma_wait3A = tpu.memref_slice %arg2[%mul3A_2] : memref<1003520xf32, #tpu.memory_space<hbm>> -> memref<31360xf32, #tpu.memory_space<hbm>>
      %dma_wait3A_273 = tpu.memref_slice %arg2[%mul3A_2] : memref<1003520xf32, #tpu.memory_space<hbm>> -> memref<31360xf32, #tpu.memory_space<hbm>>
      tpu.wait_dma2 semaphore(%run_scoped3A : memref<!tpu.dma_semaphore, #tpu.memory_space<semaphore_mem>>) src(%dma_wait3A_273 : memref<31360xf32, #tpu.memory_space<hbm>>) dst(%arg5 : memref<31360xf32, #tpu.memory_space<vmem>>)
      tpu.yield
    }) : () -> ()
    %scan3A = arith.constant 0xFF800000 : f32
    %scan3A_3 = arith.constant 0 : i32
    %scan3A_4 = arith.constant 0 : i32
    %scan3A_5 = arith.constant 1960 : i32
    %scan3A_6 = arith.addi %scan3A_4, %scan3A_5 : i32
    %scan3A_7 = arith.constant 1 : i32
    %scan3A_8:2 = scf.for %scan3A_272 = %scan3A_4 to %scan3A_6 step %scan3A_7 iter_args(%scan3A_273 = %scan3A, %scan3A_274 = %scan3A_3) -> (f32, i32)  : i32 {
      %ge3A_275 = arith.constant 256 : i32
      %ge3A_276 = arith.cmpi sge, %scan3A_274, %ge3A_275 : i32
      %convert_element_type3A = arith.extui %ge3A_276 : i1 to i32
      %cond3A = arith.constant 0 : i32
      %cond3A_277 = arith.cmpi ne, %convert_element_type3A, %cond3A : i32
      %cond3A_278:2 = scf.if %cond3A_277 -> (f32, i32) {
        %scan3A_302 = arith.constant 0 : i32
        %scan3A_303 = arith.constant 0 : i32
        %scan3A_304 = arith.constant 18 : i32
        %scan3A_305 = arith.addi %scan3A_303, %scan3A_304 : i32
        %scan3A_306 = arith.constant 1 : i32
        scf.for %scan3A_337 = %scan3A_303 to %scan3A_305 step %scan3A_306  : i32 {
          %mul3A_338 = arith.constant 16 : i32
          %mul3A_339 = arith.muli %scan3A_337, %mul3A_338 : i32
          %get3A_340 = arith.index_cast %mul3A_339 : i32 to index
          %get3A_341 = tpu.vector_load %arg6[%get3A_340] {strides = array<i32>} : memref<288xf32, #tpu.memory_space<vmem>>, vector<16xf32>,
          %mul3A_342 = arith.constant 16 : i32
          %mul3A_343 = arith.muli %scan3A_337, %mul3A_342 : i32
          %add3A_344 = vector.broadcast %mul3A_343 : i32 to vector<16xi32>
          %add3A_345 = arith.addi %add3A_344, %iota3A : vector<16xi32>
          %lt3A_346 = vector.broadcast %scan3A_274 : i32 to vector<16xi32>
          %lt3A_347 = arith.cmpi slt, %add3A_345, %lt3A_346 : vector<16xi32>
          %bitcast3A_348 = vector.bitcast %get3A_341 : vector<16xf32> to vector<16xi32>
          %ge3A_349 = arith.constant -2147483648 : i32
          %ge3A_350 = vector.broadcast %ge3A_349 : i32 to vector<16xi32>
          %ge3A_351 = arith.cmpi uge, %bitcast3A_348, %ge3A_350 : vector<16xi32>
          %not3A_352 = arith.constant dense<-1> : vector<16xi32>
          %not3A_353 = arith.xori %bitcast3A_348, %not3A_352 : vector<16xi32>
          %or3A = arith.constant -2147483648 : i32
          %or3A_354 = vector.broadcast %or3A : i32 to vector<16xi32>
          %or3A_355 = arith.ori %bitcast3A_348, %or3A_354 : vector<16xi32>
          %select_n3A_356 = arith.select %ge3A_351, %not3A_353, %or3A_355 : vector<16xi1>, vector<16xi32>
          %jit3A_357 = arith.constant 0 : i32
          %broadcast_in_dim3A_358 = vector.broadcast %jit3A_357 : i32 to vector<16xi32>
          %select_n3A_359 = arith.select %lt3A_347, %select_n3A_356, %broadcast_in_dim3A_358 : vector<16xi1>, vector<16xi32>
          %mul3A_360 = arith.constant 16 : i32
          %mul3A_361 = arith.muli %scan3A_337, %mul3A_360 : i32
          %swap3A_362 = arith.index_cast %mul3A_361 : i32 to index
          %swap3A_363 = tpu.vector_load %arg8[%swap3A_362] {strides = array<i32>} : memref<288xi32, #tpu.memory_space<vmem>>, vector<16xi32>,
          tpu.vector_store %arg8[%swap3A_362], %select_n3A_359 {strides = array<i32>} : memref<288xi32, #tpu.memory_space<vmem>>, vector<16xi32>,
        }
        %scan3A_307 = arith.constant 18 : i32
        %scan3A_308 = arith.constant 0 : i32
        %scan3A_309 = arith.constant 0 : i32
        %scan3A_310 = arith.constant 32 : i32
        %scan3A_311 = arith.addi %scan3A_309, %scan3A_310 : i32
        %scan3A_312 = arith.constant 1 : i32
        %scan3A_313 = scf.for %scan3A_337 = %scan3A_309 to %scan3A_311 step %scan3A_312 iter_args(%scan3A_338 = %scan3A_308) -> (i32)  : i32 {
          %sub3A = arith.constant 31 : i32
          %sub3A_339 = arith.subi %sub3A, %scan3A_337 : i32
          %shift_left3A = arith.constant 1 : i32
          %shift_left3A_340 = arith.shli %shift_left3A, %sub3A_339 : i32
          %or3A = arith.ori %scan3A_338, %shift_left3A_340 : i32
          %broadcast_in_dim3A_341 = arith.constant 0 : i32
          %broadcast_in_dim3A_342 = vector.broadcast %broadcast_in_dim3A_341 : i32 to vector<16xi32>
          %get3A_343 = arith.constant 0 : index
          %get3A_344 = tpu.vector_load %arg8[%get3A_343] {strides = array<i32>} : memref<288xi32, #tpu.memory_space<vmem>>, vector<16xi32>,
          %ge3A_345 = vector.broadcast %or3A : i32 to vector<16xi32>
          %ge3A_346 = arith.cmpi uge, %get3A_344, %ge3A_345 : vector<16xi32>
          %all_reduce_population_count3A_347 = tpu.all_reduce %ge3A_346 {dim = 0 : i64, kind = #tpu.reduction_kind<sum>} : vector<16xi1> -> vector<16xi32>
          %add3A_348 = arith.addi %broadcast_in_dim3A_342, %all_reduce_population_count3A_347 : vector<16xi32>
          %get3A_349 = arith.constant 16 : index
          %get3A_350 = tpu.vector_load %arg8[%get3A_349] {strides = array<i32>} : memref<288xi32, #tpu.memory_space<vmem>>, vector<16xi32>,
          %ge3A_351 = vector.broadcast %or3A : i32 to vector<16xi32>
          %ge3A_352 = arith.cmpi uge, %get3A_350, %ge3A_351 : vector<16xi32>
          %all_reduce_population_count3A_353 = tpu.all_reduce %ge3A_352 {dim = 0 : i64, kind = #tpu.reduction_kind<sum>} : vector<16xi1> -> vector<16xi32>
          %add3A_354 = arith.addi %add3A_348, %all_reduce_population_count3A_353 : vector<16xi32>
          %get3A_355 = arith.constant 32 : index
          %get3A_356 = tpu.vector_load %arg8[%get3A_355] {strides = array<i32>} : memref<288xi32, #tpu.memory_space<vmem>>, vector<16xi32>,
          %ge3A_357 = vector.broadcast %or3A : i32 to vector<16xi32>
          %ge3A_358 = arith.cmpi uge, %get3A_356, %ge3A_357 : vector<16xi32>
          %all_reduce_population_count3A_359 = tpu.all_reduce %ge3A_358 {dim = 0 : i64, kind = #tpu.reduction_kind<sum>} : vector<16xi1> -> vector<16xi32>
          %add3A_360 = arith.addi %add3A_354, %all_reduce_population_count3A_359 : vector<16xi32>
          %get3A_361 = arith.constant 48 : index
          %get3A_362 = tpu.vector_load %arg8[%get3A_361] {strides = array<i32>} : memref<288xi32, #tpu.memory_space<vmem>>, vector<16xi32>,
          %ge3A_363 = vector.broadcast %or3A : i32 to vector<16xi32>
          %ge3A_364 = arith.cmpi uge, %get3A_362, %ge3A_363 : vector<16xi32>
          %all_reduce_population_count3A_365 = tpu.all_reduce %ge3A_364 {dim = 0 : i64, kind = #tpu.reduction_kind<sum>} : vector<16xi1> -> vector<16xi32>
          %add3A_366 = arith.addi %add3A_360, %all_reduce_population_count3A_365 : vector<16xi32>
          %get3A_367 = arith.constant 64 : index
          %get3A_368 = tpu.vector_load %arg8[%get3A_367] {strides = array<i32>} : memref<288xi32, #tpu.memory_space<vmem>>, vector<16xi32>,
          %ge3A_369 = vector.broadcast %or3A : i32 to vector<16xi32>
          %ge3A_370 = arith.cmpi uge, %get3A_368, %ge3A_369 : vector<16xi32>
          %all_reduce_population_count3A_371 = tpu.all_reduce %ge3A_370 {dim = 0 : i64, kind = #tpu.reduction_kind<sum>} : vector<16xi1> -> vector<16xi32>
          %add3A_372 = arith.addi %add3A_366, %all_reduce_population_count3A_371 : vector<16xi32>
          %get3A_373 = arith.constant 80 : index
          %get3A_374 = tpu.vector_load %arg8[%get3A_373] {strides = array<i32>} : memref<288xi32, #tpu.memory_space<vmem>>, vector<16xi32>,
          %ge3A_375 = vector.broadcast %or3A : i32 to vector<16xi32>
          %ge3A_376 = arith.cmpi uge, %get3A_374, %ge3A_375 : vector<16xi32>
          %all_reduce_population_count3A_377 = tpu.all_reduce %ge3A_376 {dim = 0 : i64, kind = #tpu.reduction_kind<sum>} : vector<16xi1> -> vector<16xi32>
          %add3A_378 = arith.addi %add3A_372, %all_reduce_population_count3A_377 : vector<16xi32>
          %get3A_379 = arith.constant 96 : index
          %get3A_380 = tpu.vector_load %arg8[%get3A_379] {strides = array<i32>} : memref<288xi32, #tpu.memory_space<vmem>>, vector<16xi32>,
          %ge3A_381 = vector.broadcast %or3A : i32 to vector<16xi32>
          %ge3A_382 = arith.cmpi uge, %get3A_380, %ge3A_381 : vector<16xi32>
          %all_reduce_population_count3A_383 = tpu.all_reduce %ge3A_382 {dim = 0 : i64, kind = #tpu.reduction_kind<sum>} : vector<16xi1> -> vector<16xi32>
          %add3A_384 = arith.addi %add3A_378, %all_reduce_population_count3A_383 : vector<16xi32>
          %get3A_385 = arith.constant 112 : index
          %get3A_386 = tpu.vector_load %arg8[%get3A_385] {strides = array<i32>} : memref<288xi32, #tpu.memory_space<vmem>>, vector<16xi32>,
          %ge3A_387 = vector.broadcast %or3A : i32 to vector<16xi32>
          %ge3A_388 = arith.cmpi uge, %get3A_386, %ge3A_387 : vector<16xi32>
          %all_reduce_population_count3A_389 = tpu.all_reduce %ge3A_388 {dim = 0 : i64, kind = #tpu.reduction_kind<sum>} : vector<16xi1> -> vector<16xi32>
          %add3A_390 = arith.addi %add3A_384, %all_reduce_population_count3A_389 : vector<16xi32>
          %get3A_391 = arith.constant 128 : index
          %get3A_392 = tpu.vector_load %arg8[%get3A_391] {strides = array<i32>} : memref<288xi32, #tpu.memory_space<vmem>>, vector<16xi32>,
          %ge3A_393 = vector.broadcast %or3A : i32 to vector<16xi32>
          %ge3A_394 = arith.cmpi uge, %get3A_392, %ge3A_393 : vector<16xi32>
          %all_reduce_population_count3A_395 = tpu.all_reduce %ge3A_394 {dim = 0 : i64, kind = #tpu.reduction_kind<sum>} : vector<16xi1> -> vector<16xi32>
          %add3A_396 = arith.addi %add3A_390, %all_reduce_population_count3A_395 : vector<16xi32>
          %get3A_397 = arith.constant 144 : index
          %get3A_398 = tpu.vector_load %arg8[%get3A_397] {strides = array<i32>} : memref<288xi32, #tpu.memory_space<vmem>>, vector<16xi32>,
          %ge3A_399 = vector.broadcast %or3A : i32 to vector<16xi32>
          %ge3A_400 = arith.cmpi uge, %get3A_398, %ge3A_399 : vector<16xi32>
          %all_reduce_population_count3A_401 = tpu.all_reduce %ge3A_400 {dim = 0 : i64, kind = #tpu.reduction_kind<sum>} : vector<16xi1> -> vector<16xi32>
          %add3A_402 = arith.addi %add3A_396, %all_reduce_population_count3A_401 : vector<16xi32>
          %get3A_403 = arith.constant 160 : index
          %get3A_404 = tpu.vector_load %arg8[%get3A_403] {strides = array<i32>} : memref<288xi32, #tpu.memory_space<vmem>>, vector<16xi32>,
          %ge3A_405 = vector.broadcast %or3A : i32 to vector<16xi32>
          %ge3A_406 = arith.cmpi uge, %get3A_404, %ge3A_405 : vector<16xi32>
          %all_reduce_population_count3A_407 = tpu.all_reduce %ge3A_406 {dim = 0 : i64, kind = #tpu.reduction_kind<sum>} : vector<16xi1> -> vector<16xi32>
          %add3A_408 = arith.addi %add3A_402, %all_reduce_population_count3A_407 : vector<16xi32>
          %get3A_409 = arith.constant 176 : index
          %get3A_410 = tpu.vector_load %arg8[%get3A_409] {strides = array<i32>} : memref<288xi32, #tpu.memory_space<vmem>>, vector<16xi32>,
          %ge3A_411 = vector.broadcast %or3A : i32 to vector<16xi32>
          %ge3A_412 = arith.cmpi uge, %get3A_410, %ge3A_411 : vector<16xi32>
          %all_reduce_population_count3A_413 = tpu.all_reduce %ge3A_412 {dim = 0 : i64, kind = #tpu.reduction_kind<sum>} : vector<16xi1> -> vector<16xi32>
          %add3A_414 = arith.addi %add3A_408, %all_reduce_population_count3A_413 : vector<16xi32>
          %get3A_415 = arith.constant 192 : index
          %get3A_416 = tpu.vector_load %arg8[%get3A_415] {strides = array<i32>} : memref<288xi32, #tpu.memory_space<vmem>>, vector<16xi32>,
          %ge3A_417 = vector.broadcast %or3A : i32 to vector<16xi32>
          %ge3A_418 = arith.cmpi uge, %get3A_416, %ge3A_417 : vector<16xi32>
          %all_reduce_population_count3A_419 = tpu.all_reduce %ge3A_418 {dim = 0 : i64, kind = #tpu.reduction_kind<sum>} : vector<16xi1> -> vector<16xi32>
          %add3A_420 = arith.addi %add3A_414, %all_reduce_population_count3A_419 : vector<16xi32>
          %get3A_421 = arith.constant 208 : index
          %get3A_422 = tpu.vector_load %arg8[%get3A_421] {strides = array<i32>} : memref<288xi32, #tpu.memory_space<vmem>>, vector<16xi32>,
          %ge3A_423 = vector.broadcast %or3A : i32 to vector<16xi32>
          %ge3A_424 = arith.cmpi uge, %get3A_422, %ge3A_423 : vector<16xi32>
          %all_reduce_population_count3A_425 = tpu.all_reduce %ge3A_424 {dim = 0 : i64, kind = #tpu.reduction_kind<sum>} : vector<16xi1> -> vector<16xi32>
          %add3A_426 = arith.addi %add3A_420, %all_reduce_population_count3A_425 : vector<16xi32>
          %get3A_427 = arith.constant 224 : index
          %get3A_428 = tpu.vector_load %arg8[%get3A_427] {strides = array<i32>} : memref<288xi32, #tpu.memory_space<vmem>>, vector<16xi32>,
          %ge3A_429 = vector.broadcast %or3A : i32 to vector<16xi32>
          %ge3A_430 = arith.cmpi uge, %get3A_428, %ge3A_429 : vector<16xi32>
          %all_reduce_population_count3A_431 = tpu.all_reduce %ge3A_430 {dim = 0 : i64, kind = #tpu.reduction_kind<sum>} : vector<16xi1> -> vector<16xi32>
          %add3A_432 = arith.addi %add3A_426, %all_reduce_population_count3A_431 : vector<16xi32>
          %get3A_433 = arith.constant 240 : index
          %get3A_434 = tpu.vector_load %arg8[%get3A_433] {strides = array<i32>} : memref<288xi32, #tpu.memory_space<vmem>>, vector<16xi32>,
          %ge3A_435 = vector.broadcast %or3A : i32 to vector<16xi32>
          %ge3A_436 = arith.cmpi uge, %get3A_434, %ge3A_435 : vector<16xi32>
          %all_reduce_population_count3A_437 = tpu.all_reduce %ge3A_436 {dim = 0 : i64, kind = #tpu.reduction_kind<sum>} : vector<16xi1> -> vector<16xi32>
          %add3A_438 = arith.addi %add3A_432, %all_reduce_population_count3A_437 : vector<16xi32>
          %get3A_439 = arith.constant 256 : index
          %get3A_440 = tpu.vector_load %arg8[%get3A_439] {strides = array<i32>} : memref<288xi32, #tpu.memory_space<vmem>>, vector<16xi32>,
          %ge3A_441 = vector.broadcast %or3A : i32 to vector<16xi32>
          %ge3A_442 = arith.cmpi uge, %get3A_440, %ge3A_441 : vector<16xi32>
          %all_reduce_population_count3A_443 = tpu.all_reduce %ge3A_442 {dim = 0 : i64, kind = #tpu.reduction_kind<sum>} : vector<16xi1> -> vector<16xi32>
          %add3A_444 = arith.addi %add3A_438, %all_reduce_population_count3A_443 : vector<16xi32>
          %get3A_445 = arith.constant 272 : index
          %get3A_446 = tpu.vector_load %arg8[%get3A_445] {strides = array<i32>} : memref<288xi32, #tpu.memory_space<vmem>>, vector<16xi32>,
          %ge3A_447 = vector.broadcast %or3A : i32 to vector<16xi32>
          %ge3A_448 = arith.cmpi uge, %get3A_446, %ge3A_447 : vector<16xi32>
          %all_reduce_population_count3A_449 = tpu.all_reduce %ge3A_448 {dim = 0 : i64, kind = #tpu.reduction_kind<sum>} : vector<16xi1> -> vector<16xi32>
          %add3A_450 = arith.addi %add3A_444, %all_reduce_population_count3A_449 : vector<16xi32>
          %reduce_max3A_451 = arith.constant true
          %reduce_max3A_452 = vector.broadcast %reduce_max3A_451 : i1 to vector<16xi1>
          %reduce_max3A_453 = arith.constant -2147483648 : i32
          %reduce_max3A_454 = vector.broadcast %reduce_max3A_453 : i32 to vector<16xi32>
          %reduce_max3A_455 = arith.xori %add3A_450, %reduce_max3A_454 : vector<16xi32>
          %reduce_max3A_456 = tpu.scan <max>, %reduce_max3A_455 masked %reduce_max3A_452 : vector<16xi32>, vector<16xi1> -> vector<16xi32>
          %reduce_max3A_457 = arith.xori %reduce_max3A_456, %reduce_max3A_454 : vector<16xi32>
          %reduce_max3A_458 = vector.extract %reduce_max3A_457[15] : i32 from vector<16xi32>
          %ge3A_459 = arith.constant 100 : i32
          %ge3A_460 = arith.cmpi sge, %reduce_max3A_458, %ge3A_459 : i32
          %select_n3A_461 = arith.select %ge3A_460, %or3A, %scan3A_338 : i32
          scf.yield %select_n3A_461 : i32
        }
        %scan3A_314 = arith.constant 32 : i32
        %broadcast_in_dim3A_315 = vector.broadcast %scan3A_313 : i32 to vector<16xi32>
        %ge3A_316 = arith.constant -2147483648 : i32
        %ge3A_317 = vector.broadcast %ge3A_316 : i32 to vector<16xi32>
        %ge3A_318 = arith.cmpi uge, %broadcast_in_dim3A_315, %ge3A_317 : vector<16xi32>
        %and3A_319 = arith.constant 2147483647 : i32
        %and3A_320 = vector.broadcast %and3A_319 : i32 to vector<16xi32>
        %and3A_321 = arith.andi %broadcast_in_dim3A_315, %and3A_320 : vector<16xi32>
        %not3A_322 = arith.constant dense<-1> : vector<16xi32>
        %not3A_323 = arith.xori %broadcast_in_dim3A_315, %not3A_322 : vector<16xi32>
        %select_n3A_324 = arith.select %ge3A_318, %and3A_321, %not3A_323 : vector<16xi1>, vector<16xi32>
        %bitcast3A_325 = vector.bitcast %select_n3A_324 : vector<16xi32> to vector<16xf32>
        %reduce_max3A_326 = arith.constant true
        %reduce_max3A_327 = vector.broadcast %reduce_max3A_326 : i1 to vector<16xi1>
        %reduce_max3A_328 = tpu.scan <max>, %bitcast3A_325 masked %reduce_max3A_327 : vector<16xf32>, vector<16xi1> -> vector<16xf32>
        %reduce_max3A_329 = vector.extract %reduce_max3A_328[15] : f32 from vector<16xf32>
        %scan3A_330 = arith.constant 0 : i32
        %scan3A_331 = arith.constant 0 : i32
        %scan3A_332 = arith.constant 18 : i32
        %scan3A_333 = arith.addi %scan3A_331, %scan3A_332 : i32
        %scan3A_334 = arith.constant 1 : i32
        %scan3A_335 = scf.for %scan3A_337 = %scan3A_331 to %scan3A_333 step %scan3A_334 iter_args(%scan3A_338 = %scan3A_330) -> (i32)  : i32 {
          %mul3A_339 = arith.constant 16 : i32
          %mul3A_340 = arith.muli %scan3A_337, %mul3A_339 : i32
          %get3A_341 = arith.index_cast %mul3A_340 : i32 to index
          %get3A_342 = tpu.vector_load %arg6[%get3A_341] {strides = array<i32>} : memref<288xf32, #tpu.memory_space<vmem>>, vector<16xf32>,
          %mul3A_343 = arith.constant 16 : i32
          %mul3A_344 = arith.muli %scan3A_337, %mul3A_343 : i32
          %get3A_345 = arith.index_cast %mul3A_344 : i32 to index
          %get3A_346 = tpu.vector_load %arg7[%get3A_345] {strides = array<i32>} : memref<288xi32, #tpu.memory_space<vmem>>, vector<16xi32>,
          %mul3A_347 = arith.constant 16 : i32
          %mul3A_348 = arith.muli %scan3A_337, %mul3A_347 : i32
          %get3A_349 = arith.index_cast %mul3A_348 : i32 to index
          %get3A_350 = tpu.vector_load %arg8[%get3A_349] {strides = array<i32>} : memref<288xi32, #tpu.memory_space<vmem>>, vector<16xi32>,
          %ge3A_351 = vector.broadcast %scan3A_313 : i32 to vector<16xi32>
          %ge3A_352 = arith.cmpi uge, %get3A_350, %ge3A_351 : vector<16xi32>
          %jit3A_353 = arith.constant 1 : i32
          %jit3A_354 = arith.constant 0 : i32
          %broadcast_in_dim3A_355 = vector.broadcast %jit3A_353 : i32 to vector<16xi32>
          %broadcast_in_dim3A_356 = vector.broadcast %jit3A_354 : i32 to vector<16xi32>
          %select_n3A_357 = arith.select %ge3A_352, %broadcast_in_dim3A_355, %broadcast_in_dim3A_356 : vector<16xi1>, vector<16xi32>
          %broadcast_in_dim3A_358 = arith.constant true
          %broadcast_in_dim3A_359 = vector.broadcast %broadcast_in_dim3A_358 : i1 to vector<16xi1>
          %masked_cumsum3A = tpu.scan <sum>, %select_n3A_357 masked %broadcast_in_dim3A_359 : vector<16xi32>, vector<16xi1> -> vector<16xi32>
          %add3A_360 = vector.broadcast %scan3A_338 : i32 to vector<16xi32>
          %add3A_361 = arith.addi %add3A_360, %masked_cumsum3A : vector<16xi32>
          %le3A = arith.constant 240 : i32
          %le3A_362 = vector.broadcast %le3A : i32 to vector<16xi32>
          %le3A_363 = arith.cmpi sle, %add3A_361, %le3A_362 : vector<16xi32>
          %and3A_364 = arith.andi %ge3A_352, %le3A_363 : vector<16xi1>
          %swap3A_365 = arith.index_cast %scan3A_338 : i32 to index
          %swap3A_366 = tpu.vector_load %arg6[%swap3A_365] masked %and3A_364 {strides = array<i32>} : memref<288xf32, #tpu.memory_space<vmem>>, vector<16xf32>, vector<16xi1>
          tpu.vector_store %arg6[%swap3A_365], %get3A_342 masked %and3A_364 {strides = array<i32>} : memref<288xf32, #tpu.memory_space<vmem>>, vector<16xf32>, vector<16xi1>
          %swap3A_367 = arith.index_cast %scan3A_338 : i32 to index
          %swap3A_368 = tpu.vector_load %arg7[%swap3A_367] masked %and3A_364 {strides = array<i32>} : memref<288xi32, #tpu.memory_space<vmem>>, vector<16xi32>, vector<16xi1>
          tpu.vector_store %arg7[%swap3A_367], %get3A_346 masked %and3A_364 {strides = array<i32>} : memref<288xi32, #tpu.memory_space<vmem>>, vector<16xi32>, vector<16xi1>
          %all_reduce_population_count3A_369 = tpu.all_reduce %and3A_364 {dim = 0 : i64, kind = #tpu.reduction_kind<sum>} : vector<16xi1> -> vector<16xi32>
          %reduce_max3A_370 = arith.constant true
          %reduce_max3A_371 = vector.broadcast %reduce_max3A_370 : i1 to vector<16xi1>
          %reduce_max3A_372 = arith.constant -2147483648 : i32
          %reduce_max3A_373 = vector.broadcast %reduce_max3A_372 : i32 to vector<16xi32>
          %reduce_max3A_374 = arith.xori %all_reduce_population_count3A_369, %reduce_max3A_373 : vector<16xi32>
          %reduce_max3A_375 = tpu.scan <max>, %reduce_max3A_374 masked %reduce_max3A_371 : vector<16xi32>, vector<16xi1> -> vector<16xi32>
          %reduce_max3A_376 = arith.xori %reduce_max3A_375, %reduce_max3A_373 : vector<16xi32>
          %reduce_max3A_377 = vector.extract %reduce_max3A_376[15] : i32 from vector<16xi32>
          %add3A_378 = arith.addi %scan3A_338, %reduce_max3A_377 : i32
          scf.yield %add3A_378 : i32
        }
        %scan3A_336 = arith.constant 18 : i32
        scf.yield %reduce_max3A_329, %scan3A_335 : f32, i32
      } else {
        scf.yield %scan3A_273, %scan3A_274 : f32, i32
      }
      %mul3A_279 = arith.constant 16 : i32
      %mul3A_280 = arith.muli %scan3A_272, %mul3A_279 : i32
      %get3A_281 = arith.index_cast %mul3A_280 : i32 to index
      %get3A_282 = tpu.vector_load %arg5[%get3A_281] {strides = array<i32>} : memref<31360xf32, #tpu.memory_space<vmem>>, vector<16xf32>,
      %gt3A = vector.broadcast %cond3A_278#0 : f32 to vector<16xf32>
      %gt3A_283 = arith.cmpf ogt, %get3A_282, %gt3A : vector<16xf32>
      %swap3A_284 = arith.index_cast %cond3A_278#1 : i32 to index
      %swap3A_285 = tpu.vector_load %arg6[%swap3A_284] masked %gt3A_283 {strides = array<i32>} : memref<288xf32, #tpu.memory_space<vmem>>, vector<16xf32>, vector<16xi1>
      tpu.vector_store %arg6[%swap3A_284], %get3A_282 masked %gt3A_283 {strides = array<i32>} : memref<288xf32, #tpu.memory_space<vmem>>, vector<16xf32>, vector<16xi1>
      %mul3A_286 = arith.constant 16 : i32
      %mul3A_287 = arith.muli %scan3A_272, %mul3A_286 : i32
      %add3A_288 = arith.addi %mul3A_2, %mul3A_287 : i32
      %add3A_289 = vector.broadcast %add3A_288 : i32 to vector<16xi32>
      %add3A_290 = arith.addi %add3A_289, %iota3A : vector<16xi32>
      %swap3A_291 = arith.index_cast %cond3A_278#1 : i32 to index
      %swap3A_292 = tpu.vector_load %arg7[%swap3A_291] masked %gt3A_283 {strides = array<i32>} : memref<288xi32, #tpu.memory_space<vmem>>, vector<16xi32>, vector<16xi1>
      tpu.vector_store %arg7[%swap3A_291], %add3A_290 masked %gt3A_283 {strides = array<i32>} : memref<288xi32, #tpu.memory_space<vmem>>, vector<16xi32>, vector<16xi1>
      %all_reduce_population_count3A = tpu.all_reduce %gt3A_283 {dim = 0 : i64, kind = #tpu.reduction_kind<sum>} : vector<16xi1> -> vector<16xi32>
      %reduce_max3A_293 = arith.constant true
      %reduce_max3A_294 = vector.broadcast %reduce_max3A_293 : i1 to vector<16xi1>
      %reduce_max3A_295 = arith.constant -2147483648 : i32
      %reduce_max3A_296 = vector.broadcast %reduce_max3A_295 : i32 to vector<16xi32>
      %reduce_max3A_297 = arith.xori %all_reduce_population_count3A, %reduce_max3A_296 : vector<16xi32>
      %reduce_max3A_298 = tpu.scan <max>, %reduce_max3A_297 masked %reduce_max3A_294 : vector<16xi32>, vector<16xi1> -> vector<16xi32>
      %reduce_max3A_299 = arith.xori %reduce_max3A_298, %reduce_max3A_296 : vector<16xi32>
      %reduce_max3A_300 = vector.extract %reduce_max3A_299[15] : i32 from vector<16xi32>
      %add3A_301 = arith.addi %cond3A_278#1, %reduce_max3A_300 : i32
      scf.yield %cond3A_278#0, %add3A_301 : f32, i32
    }
    %scan3A_9 = arith.constant 1960 : i32
    %scan3A_10 = arith.constant 0 : i32
    %scan3A_11 = arith.constant 0 : i32
    %scan3A_12 = arith.constant 18 : i32
    %scan3A_13 = arith.addi %scan3A_11, %scan3A_12 : i32
    %scan3A_14 = arith.constant 1 : i32
    scf.for %scan3A_272 = %scan3A_11 to %scan3A_13 step %scan3A_14  : i32 {
      %mul3A_273 = arith.constant 16 : i32
      %mul3A_274 = arith.muli %scan3A_272, %mul3A_273 : i32
      %get3A_275 = arith.index_cast %mul3A_274 : i32 to index
      %get3A_276 = tpu.vector_load %arg6[%get3A_275] {strides = array<i32>} : memref<288xf32, #tpu.memory_space<vmem>>, vector<16xf32>,
      %mul3A_277 = arith.constant 16 : i32
      %mul3A_278 = arith.muli %scan3A_272, %mul3A_277 : i32
      %add3A_279 = vector.broadcast %mul3A_278 : i32 to vector<16xi32>
      %add3A_280 = arith.addi %add3A_279, %iota3A : vector<16xi32>
      %lt3A_281 = vector.broadcast %scan3A_8#1 : i32 to vector<16xi32>
      %lt3A_282 = arith.cmpi slt, %add3A_280, %lt3A_281 : vector<16xi32>
      %bitcast3A_283 = vector.bitcast %get3A_276 : vector<16xf32> to vector<16xi32>
      %ge3A_284 = arith.constant -2147483648 : i32
      %ge3A_285 = vector.broadcast %ge3A_284 : i32 to vector<16xi32>
      %ge3A_286 = arith.cmpi uge, %bitcast3A_283, %ge3A_285 : vector<16xi32>
      %not3A_287 = arith.constant dense<-1> : vector<16xi32>
      %not3A_288 = arith.xori %bitcast3A_283, %not3A_287 : vector<16xi32>
      %or3A = arith.constant -2147483648 : i32
      %or3A_289 = vector.broadcast %or3A : i32 to vector<16xi32>
      %or3A_290 = arith.ori %bitcast3A_283, %or3A_289 : vector<16xi32>
      %select_n3A_291 = arith.select %ge3A_286, %not3A_288, %or3A_290 : vector<16xi1>, vector<16xi32>
      %jit3A_292 = arith.constant 0 : i32
      %broadcast_in_dim3A_293 = vector.broadcast %jit3A_292 : i32 to vector<16xi32>
      %select_n3A_294 = arith.select %lt3A_282, %select_n3A_291, %broadcast_in_dim3A_293 : vector<16xi1>, vector<16xi32>
      %mul3A_295 = arith.constant 16 : i32
      %mul3A_296 = arith.muli %scan3A_272, %mul3A_295 : i32
      %swap3A_297 = arith.index_cast %mul3A_296 : i32 to index
      %swap3A_298 = tpu.vector_load %arg8[%swap3A_297] {strides = array<i32>} : memref<288xi32, #tpu.memory_space<vmem>>, vector<16xi32>,
      tpu.vector_store %arg8[%swap3A_297], %select_n3A_294 {strides = array<i32>} : memref<288xi32, #tpu.memory_space<vmem>>, vector<16xi32>,
    }
    %scan3A_15 = arith.constant 18 : i32
    %scan3A_16 = arith.constant 0 : i32
    %scan3A_17 = arith.constant 0 : i32
    %scan3A_18 = arith.constant 32 : i32
    %scan3A_19 = arith.addi %scan3A_17, %scan3A_18 : i32
    %scan3A_20 = arith.constant 1 : i32
    %scan3A_21 = scf.for %scan3A_272 = %scan3A_17 to %scan3A_19 step %scan3A_20 iter_args(%scan3A_273 = %scan3A_16) -> (i32)  : i32 {
      %sub3A = arith.constant 31 : i32
      %sub3A_274 = arith.subi %sub3A, %scan3A_272 : i32
      %shift_left3A = arith.constant 1 : i32
      %shift_left3A_275 = arith.shli %shift_left3A, %sub3A_274 : i32
      %or3A = arith.ori %scan3A_273, %shift_left3A_275 : i32
      %broadcast_in_dim3A_276 = arith.constant 0 : i32
      %broadcast_in_dim3A_277 = vector.broadcast %broadcast_in_dim3A_276 : i32 to vector<16xi32>
      %get3A_278 = arith.constant 0 : index
      %get3A_279 = tpu.vector_load %arg8[%get3A_278] {strides = array<i32>} : memref<288xi32, #tpu.memory_space<vmem>>, vector<16xi32>,
      %ge3A_280 = vector.broadcast %or3A : i32 to vector<16xi32>
      %ge3A_281 = arith.cmpi uge, %get3A_279, %ge3A_280 : vector<16xi32>
      %all_reduce_population_count3A = tpu.all_reduce %ge3A_281 {dim = 0 : i64, kind = #tpu.reduction_kind<sum>} : vector<16xi1> -> vector<16xi32>
      %add3A_282 = arith.addi %broadcast_in_dim3A_277, %all_reduce_population_count3A : vector<16xi32>
      %get3A_283 = arith.constant 16 : index
      %get3A_284 = tpu.vector_load %arg8[%get3A_283] {strides = array<i32>} : memref<288xi32, #tpu.memory_space<vmem>>, vector<16xi32>,
      %ge3A_285 = vector.broadcast %or3A : i32 to vector<16xi32>
      %ge3A_286 = arith.cmpi uge, %get3A_284, %ge3A_285 : vector<16xi32>
      %all_reduce_population_count3A_287 = tpu.all_reduce %ge3A_286 {dim = 0 : i64, kind = #tpu.reduction_kind<sum>} : vector<16xi1> -> vector<16xi32>
      %add3A_288 = arith.addi %add3A_282, %all_reduce_population_count3A_287 : vector<16xi32>
      %get3A_289 = arith.constant 32 : index
      %get3A_290 = tpu.vector_load %arg8[%get3A_289] {strides = array<i32>} : memref<288xi32, #tpu.memory_space<vmem>>, vector<16xi32>,
      %ge3A_291 = vector.broadcast %or3A : i32 to vector<16xi32>
      %ge3A_292 = arith.cmpi uge, %get3A_290, %ge3A_291 : vector<16xi32>
      %all_reduce_population_count3A_293 = tpu.all_reduce %ge3A_292 {dim = 0 : i64, kind = #tpu.reduction_kind<sum>} : vector<16xi1> -> vector<16xi32>
      %add3A_294 = arith.addi %add3A_288, %all_reduce_population_count3A_293 : vector<16xi32>
      %get3A_295 = arith.constant 48 : index
      %get3A_296 = tpu.vector_load %arg8[%get3A_295] {strides = array<i32>} : memref<288xi32, #tpu.memory_space<vmem>>, vector<16xi32>,
      %ge3A_297 = vector.broadcast %or3A : i32 to vector<16xi32>
      %ge3A_298 = arith.cmpi uge, %get3A_296, %ge3A_297 : vector<16xi32>
      %all_reduce_population_count3A_299 = tpu.all_reduce %ge3A_298 {dim = 0 : i64, kind = #tpu.reduction_kind<sum>} : vector<16xi1> -> vector<16xi32>
      %add3A_300 = arith.addi %add3A_294, %all_reduce_population_count3A_299 : vector<16xi32>
      %get3A_301 = arith.constant 64 : index
      %get3A_302 = tpu.vector_load %arg8[%get3A_301] {strides = array<i32>} : memref<288xi32, #tpu.memory_space<vmem>>, vector<16xi32>,
      %ge3A_303 = vector.broadcast %or3A : i32 to vector<16xi32>
      %ge3A_304 = arith.cmpi uge, %get3A_302, %ge3A_303 : vector<16xi32>
      %all_reduce_population_count3A_305 = tpu.all_reduce %ge3A_304 {dim = 0 : i64, kind = #tpu.reduction_kind<sum>} : vector<16xi1> -> vector<16xi32>
      %add3A_306 = arith.addi %add3A_300, %all_reduce_population_count3A_305 : vector<16xi32>
      %get3A_307 = arith.constant 80 : index
      %get3A_308 = tpu.vector_load %arg8[%get3A_307] {strides = array<i32>} : memref<288xi32, #tpu.memory_space<vmem>>, vector<16xi32>,
      %ge3A_309 = vector.broadcast %or3A : i32 to vector<16xi32>
      %ge3A_310 = arith.cmpi uge, %get3A_308, %ge3A_309 : vector<16xi32>
      %all_reduce_population_count3A_311 = tpu.all_reduce %ge3A_310 {dim = 0 : i64, kind = #tpu.reduction_kind<sum>} : vector<16xi1> -> vector<16xi32>
      %add3A_312 = arith.addi %add3A_306, %all_reduce_population_count3A_311 : vector<16xi32>
      %get3A_313 = arith.constant 96 : index
      %get3A_314 = tpu.vector_load %arg8[%get3A_313] {strides = array<i32>} : memref<288xi32, #tpu.memory_space<vmem>>, vector<16xi32>,
      %ge3A_315 = vector.broadcast %or3A : i32 to vector<16xi32>
      %ge3A_316 = arith.cmpi uge, %get3A_314, %ge3A_315 : vector<16xi32>
      %all_reduce_population_count3A_317 = tpu.all_reduce %ge3A_316 {dim = 0 : i64, kind = #tpu.reduction_kind<sum>} : vector<16xi1> -> vector<16xi32>
      %add3A_318 = arith.addi %add3A_312, %all_reduce_population_count3A_317 : vector<16xi32>
      %get3A_319 = arith.constant 112 : index
      %get3A_320 = tpu.vector_load %arg8[%get3A_319] {strides = array<i32>} : memref<288xi32, #tpu.memory_space<vmem>>, vector<16xi32>,
      %ge3A_321 = vector.broadcast %or3A : i32 to vector<16xi32>
      %ge3A_322 = arith.cmpi uge, %get3A_320, %ge3A_321 : vector<16xi32>
      %all_reduce_population_count3A_323 = tpu.all_reduce %ge3A_322 {dim = 0 : i64, kind = #tpu.reduction_kind<sum>} : vector<16xi1> -> vector<16xi32>
      %add3A_324 = arith.addi %add3A_318, %all_reduce_population_count3A_323 : vector<16xi32>
      %get3A_325 = arith.constant 128 : index
      %get3A_326 = tpu.vector_load %arg8[%get3A_325] {strides = array<i32>} : memref<288xi32, #tpu.memory_space<vmem>>, vector<16xi32>,
      %ge3A_327 = vector.broadcast %or3A : i32 to vector<16xi32>
      %ge3A_328 = arith.cmpi uge, %get3A_326, %ge3A_327 : vector<16xi32>
      %all_reduce_population_count3A_329 = tpu.all_reduce %ge3A_328 {dim = 0 : i64, kind = #tpu.reduction_kind<sum>} : vector<16xi1> -> vector<16xi32>
      %add3A_330 = arith.addi %add3A_324, %all_reduce_population_count3A_329 : vector<16xi32>
      %get3A_331 = arith.constant 144 : index
      %get3A_332 = tpu.vector_load %arg8[%get3A_331] {strides = array<i32>} : memref<288xi32, #tpu.memory_space<vmem>>, vector<16xi32>,
      %ge3A_333 = vector.broadcast %or3A : i32 to vector<16xi32>
      %ge3A_334 = arith.cmpi uge, %get3A_332, %ge3A_333 : vector<16xi32>
      %all_reduce_population_count3A_335 = tpu.all_reduce %ge3A_334 {dim = 0 : i64, kind = #tpu.reduction_kind<sum>} : vector<16xi1> -> vector<16xi32>
      %add3A_336 = arith.addi %add3A_330, %all_reduce_population_count3A_335 : vector<16xi32>
      %get3A_337 = arith.constant 160 : index
      %get3A_338 = tpu.vector_load %arg8[%get3A_337] {strides = array<i32>} : memref<288xi32, #tpu.memory_space<vmem>>, vector<16xi32>,
      %ge3A_339 = vector.broadcast %or3A : i32 to vector<16xi32>
      %ge3A_340 = arith.cmpi uge, %get3A_338, %ge3A_339 : vector<16xi32>
      %all_reduce_population_count3A_341 = tpu.all_reduce %ge3A_340 {dim = 0 : i64, kind = #tpu.reduction_kind<sum>} : vector<16xi1> -> vector<16xi32>
      %add3A_342 = arith.addi %add3A_336, %all_reduce_population_count3A_341 : vector<16xi32>
      %get3A_343 = arith.constant 176 : index
      %get3A_344 = tpu.vector_load %arg8[%get3A_343] {strides = array<i32>} : memref<288xi32, #tpu.memory_space<vmem>>, vector<16xi32>,
      %ge3A_345 = vector.broadcast %or3A : i32 to vector<16xi32>
      %ge3A_346 = arith.cmpi uge, %get3A_344, %ge3A_345 : vector<16xi32>
      %all_reduce_population_count3A_347 = tpu.all_reduce %ge3A_346 {dim = 0 : i64, kind = #tpu.reduction_kind<sum>} : vector<16xi1> -> vector<16xi32>
      %add3A_348 = arith.addi %add3A_342, %all_reduce_population_count3A_347 : vector<16xi32>
      %get3A_349 = arith.constant 192 : index
      %get3A_350 = tpu.vector_load %arg8[%get3A_349] {strides = array<i32>} : memref<288xi32, #tpu.memory_space<vmem>>, vector<16xi32>,
      %ge3A_351 = vector.broadcast %or3A : i32 to vector<16xi32>
      %ge3A_352 = arith.cmpi uge, %get3A_350, %ge3A_351 : vector<16xi32>
      %all_reduce_population_count3A_353 = tpu.all_reduce %ge3A_352 {dim = 0 : i64, kind = #tpu.reduction_kind<sum>} : vector<16xi1> -> vector<16xi32>
      %add3A_354 = arith.addi %add3A_348, %all_reduce_population_count3A_353 : vector<16xi32>
      %get3A_355 = arith.constant 208 : index
      %get3A_356 = tpu.vector_load %arg8[%get3A_355] {strides = array<i32>} : memref<288xi32, #tpu.memory_space<vmem>>, vector<16xi32>,
      %ge3A_357 = vector.broadcast %or3A : i32 to vector<16xi32>
      %ge3A_358 = arith.cmpi uge, %get3A_356, %ge3A_357 : vector<16xi32>
      %all_reduce_population_count3A_359 = tpu.all_reduce %ge3A_358 {dim = 0 : i64, kind = #tpu.reduction_kind<sum>} : vector<16xi1> -> vector<16xi32>
      %add3A_360 = arith.addi %add3A_354, %all_reduce_population_count3A_359 : vector<16xi32>
      %get3A_361 = arith.constant 224 : index
      %get3A_362 = tpu.vector_load %arg8[%get3A_361] {strides = array<i32>} : memref<288xi32, #tpu.memory_space<vmem>>, vector<16xi32>,
      %ge3A_363 = vector.broadcast %or3A : i32 to vector<16xi32>
      %ge3A_364 = arith.cmpi uge, %get3A_362, %ge3A_363 : vector<16xi32>
      %all_reduce_population_count3A_365 = tpu.all_reduce %ge3A_364 {dim = 0 : i64, kind = #tpu.reduction_kind<sum>} : vector<16xi1> -> vector<16xi32>
      %add3A_366 = arith.addi %add3A_360, %all_reduce_population_count3A_365 : vector<16xi32>
      %get3A_367 = arith.constant 240 : index
      %get3A_368 = tpu.vector_load %arg8[%get3A_367] {strides = array<i32>} : memref<288xi32, #tpu.memory_space<vmem>>, vector<16xi32>,
      %ge3A_369 = vector.broadcast %or3A : i32 to vector<16xi32>
      %ge3A_370 = arith.cmpi uge, %get3A_368, %ge3A_369 : vector<16xi32>
      %all_reduce_population_count3A_371 = tpu.all_reduce %ge3A_370 {dim = 0 : i64, kind = #tpu.reduction_kind<sum>} : vector<16xi1> -> vector<16xi32>
      %add3A_372 = arith.addi %add3A_366, %all_reduce_population_count3A_371 : vector<16xi32>
      %get3A_373 = arith.constant 256 : index
      %get3A_374 = tpu.vector_load %arg8[%get3A_373] {strides = array<i32>} : memref<288xi32, #tpu.memory_space<vmem>>, vector<16xi32>,
      %ge3A_375 = vector.broadcast %or3A : i32 to vector<16xi32>
      %ge3A_376 = arith.cmpi uge, %get3A_374, %ge3A_375 : vector<16xi32>
      %all_reduce_population_count3A_377 = tpu.all_reduce %ge3A_376 {dim = 0 : i64, kind = #tpu.reduction_kind<sum>} : vector<16xi1> -> vector<16xi32>
      %add3A_378 = arith.addi %add3A_372, %all_reduce_population_count3A_377 : vector<16xi32>
      %get3A_379 = arith.constant 272 : index
      %get3A_380 = tpu.vector_load %arg8[%get3A_379] {strides = array<i32>} : memref<288xi32, #tpu.memory_space<vmem>>, vector<16xi32>,
      %ge3A_381 = vector.broadcast %or3A : i32 to vector<16xi32>
      %ge3A_382 = arith.cmpi uge, %get3A_380, %ge3A_381 : vector<16xi32>
      %all_reduce_population_count3A_383 = tpu.all_reduce %ge3A_382 {dim = 0 : i64, kind = #tpu.reduction_kind<sum>} : vector<16xi1> -> vector<16xi32>
      %add3A_384 = arith.addi %add3A_378, %all_reduce_population_count3A_383 : vector<16xi32>
      %reduce_max3A_385 = arith.constant true
      %reduce_max3A_386 = vector.broadcast %reduce_max3A_385 : i1 to vector<16xi1>
      %reduce_max3A_387 = arith.constant -2147483648 : i32
      %reduce_max3A_388 = vector.broadcast %reduce_max3A_387 : i32 to vector<16xi32>
      %reduce_max3A_389 = arith.xori %add3A_384, %reduce_max3A_388 : vector<16xi32>
      %reduce_max3A_390 = tpu.scan <max>, %reduce_max3A_389 masked %reduce_max3A_386 : vector<16xi32>, vector<16xi1> -> vector<16xi32>
      %reduce_max3A_391 = arith.xori %reduce_max3A_390, %reduce_max3A_388 : vector<16xi32>
      %reduce_max3A_392 = vector.extract %reduce_max3A_391[15] : i32 from vector<16xi32>
      %ge3A_393 = arith.constant 100 : i32
      %ge3A_394 = arith.cmpi sge, %reduce_max3A_392, %ge3A_393 : i32
      %select_n3A_395 = arith.select %ge3A_394, %or3A, %scan3A_273 : i32
      scf.yield %select_n3A_395 : i32
    }
    %scan3A_22 = arith.constant 32 : i32
    %broadcast_in_dim3A = vector.broadcast %scan3A_21 : i32 to vector<16xi32>
    %ge3A = arith.constant -2147483648 : i32
    %ge3A_23 = vector.broadcast %ge3A : i32 to vector<16xi32>
    %ge3A_24 = arith.cmpi uge, %broadcast_in_dim3A, %ge3A_23 : vector<16xi32>
    %and3A = arith.constant 2147483647 : i32
    %and3A_25 = vector.broadcast %and3A : i32 to vector<16xi32>
    %and3A_26 = arith.andi %broadcast_in_dim3A, %and3A_25 : vector<16xi32>
    %not3A = arith.constant dense<-1> : vector<16xi32>
    %not3A_27 = arith.xori %broadcast_in_dim3A, %not3A : vector<16xi32>
    %select_n3A = arith.select %ge3A_24, %and3A_26, %not3A_27 : vector<16xi1>, vector<16xi32>
    %bitcast3A = vector.bitcast %select_n3A : vector<16xi32> to vector<16xf32>
    %reduce_max3A = arith.constant true
    %reduce_max3A_28 = vector.broadcast %reduce_max3A : i1 to vector<16xi1>
    %reduce_max3A_29 = tpu.scan <max>, %bitcast3A masked %reduce_max3A_28 : vector<16xf32>, vector<16xi1> -> vector<16xf32>
    %reduce_max3A_30 = vector.extract %reduce_max3A_29[15] : f32 from vector<16xf32>
    %scan3A_31 = arith.constant 0 : i32
    %scan3A_32 = arith.constant 0 : i32
    %scan3A_33 = arith.constant 18 : i32
    %scan3A_34 = arith.addi %scan3A_32, %scan3A_33 : i32
    %scan3A_35 = arith.constant 1 : i32
    %scan3A_36 = scf.for %scan3A_272 = %scan3A_32 to %scan3A_34 step %scan3A_35 iter_args(%scan3A_273 = %scan3A_31) -> (i32)  : i32 {
      %mul3A_274 = arith.constant 16 : i32
      %mul3A_275 = arith.muli %scan3A_272, %mul3A_274 : i32
      %get3A_276 = arith.index_cast %mul3A_275 : i32 to index
      %get3A_277 = tpu.vector_load %arg6[%get3A_276] {strides = array<i32>} : memref<288xf32, #tpu.memory_space<vmem>>, vector<16xf32>,
      %mul3A_278 = arith.constant 16 : i32
      %mul3A_279 = arith.muli %scan3A_272, %mul3A_278 : i32
      %get3A_280 = arith.index_cast %mul3A_279 : i32 to index
      %get3A_281 = tpu.vector_load %arg7[%get3A_280] {strides = array<i32>} : memref<288xi32, #tpu.memory_space<vmem>>, vector<16xi32>,
      %mul3A_282 = arith.constant 16 : i32
      %mul3A_283 = arith.muli %scan3A_272, %mul3A_282 : i32
      %get3A_284 = arith.index_cast %mul3A_283 : i32 to index
      %get3A_285 = tpu.vector_load %arg8[%get3A_284] {strides = array<i32>} : memref<288xi32, #tpu.memory_space<vmem>>, vector<16xi32>,
      %ge3A_286 = vector.broadcast %scan3A_21 : i32 to vector<16xi32>
      %ge3A_287 = arith.cmpi uge, %get3A_285, %ge3A_286 : vector<16xi32>
      %jit3A_288 = arith.constant 1 : i32
      %jit3A_289 = arith.constant 0 : i32
      %broadcast_in_dim3A_290 = vector.broadcast %jit3A_288 : i32 to vector<16xi32>
      %broadcast_in_dim3A_291 = vector.broadcast %jit3A_289 : i32 to vector<16xi32>
      %select_n3A_292 = arith.select %ge3A_287, %broadcast_in_dim3A_290, %broadcast_in_dim3A_291 : vector<16xi1>, vector<16xi32>
      %broadcast_in_dim3A_293 = arith.constant true
      %broadcast_in_dim3A_294 = vector.broadcast %broadcast_in_dim3A_293 : i1 to vector<16xi1>
      %masked_cumsum3A = tpu.scan <sum>, %select_n3A_292 masked %broadcast_in_dim3A_294 : vector<16xi32>, vector<16xi1> -> vector<16xi32>
      %add3A_295 = vector.broadcast %scan3A_273 : i32 to vector<16xi32>
      %add3A_296 = arith.addi %add3A_295, %masked_cumsum3A : vector<16xi32>
      %le3A = arith.constant 240 : i32
      %le3A_297 = vector.broadcast %le3A : i32 to vector<16xi32>
      %le3A_298 = arith.cmpi sle, %add3A_296, %le3A_297 : vector<16xi32>
      %and3A_299 = arith.andi %ge3A_287, %le3A_298 : vector<16xi1>
      %swap3A_300 = arith.index_cast %scan3A_273 : i32 to index
      %swap3A_301 = tpu.vector_load %arg6[%swap3A_300] masked %and3A_299 {strides = array<i32>} : memref<288xf32, #tpu.memory_space<vmem>>, vector<16xf32>, vector<16xi1>
      tpu.vector_store %arg6[%swap3A_300], %get3A_277 masked %and3A_299 {strides = array<i32>} : memref<288xf32, #tpu.memory_space<vmem>>, vector<16xf32>, vector<16xi1>
      %swap3A_302 = arith.index_cast %scan3A_273 : i32 to index
      %swap3A_303 = tpu.vector_load %arg7[%swap3A_302] masked %and3A_299 {strides = array<i32>} : memref<288xi32, #tpu.memory_space<vmem>>, vector<16xi32>, vector<16xi1>
      tpu.vector_store %arg7[%swap3A_302], %get3A_281 masked %and3A_299 {strides = array<i32>} : memref<288xi32, #tpu.memory_space<vmem>>, vector<16xi32>, vector<16xi1>
      %all_reduce_population_count3A = tpu.all_reduce %and3A_299 {dim = 0 : i64, kind = #tpu.reduction_kind<sum>} : vector<16xi1> -> vector<16xi32>
      %reduce_max3A_304 = arith.constant true
      %reduce_max3A_305 = vector.broadcast %reduce_max3A_304 : i1 to vector<16xi1>
      %reduce_max3A_306 = arith.constant -2147483648 : i32
      %reduce_max3A_307 = vector.broadcast %reduce_max3A_306 : i32 to vector<16xi32>
      %reduce_max3A_308 = arith.xori %all_reduce_population_count3A, %reduce_max3A_307 : vector<16xi32>
      %reduce_max3A_309 = tpu.scan <max>, %reduce_max3A_308 masked %reduce_max3A_305 : vector<16xi32>, vector<16xi1> -> vector<16xi32>
      %reduce_max3A_310 = arith.xori %reduce_max3A_309, %reduce_max3A_307 : vector<16xi32>
      %reduce_max3A_311 = vector.extract %reduce_max3A_310[15] : i32 from vector<16xi32>
      %add3A_312 = arith.addi %scan3A_273, %reduce_max3A_311 : i32
      scf.yield %add3A_312 : i32
    }
    %scan3A_37 = arith.constant 18 : i32
    %broadcast_in_dim3A_38 = arith.constant 0xFF800000 : f32
    %broadcast_in_dim3A_39 = vector.broadcast %broadcast_in_dim3A_38 : f32 to vector<16xf32>
    %swap3A = arith.constant 0 : index
    %swap3A_40 = tpu.vector_load %arg9[%swap3A] {strides = array<i32>} : memref<128xf32, #tpu.memory_space<vmem>>, vector<16xf32>,
    tpu.vector_store %arg9[%swap3A], %broadcast_in_dim3A_39 {strides = array<i32>} : memref<128xf32, #tpu.memory_space<vmem>>, vector<16xf32>,
    %broadcast_in_dim3A_41 = arith.constant 0 : i32
    %broadcast_in_dim3A_42 = vector.broadcast %broadcast_in_dim3A_41 : i32 to vector<16xi32>
    %swap3A_43 = arith.constant 0 : index
    %swap3A_44 = tpu.vector_load %arg10[%swap3A_43] {strides = array<i32>} : memref<128xi32, #tpu.memory_space<vmem>>, vector<16xi32>,
    tpu.vector_store %arg10[%swap3A_43], %broadcast_in_dim3A_42 {strides = array<i32>} : memref<128xi32, #tpu.memory_space<vmem>>, vector<16xi32>,
    %swap3A_45 = arith.constant 16 : index
    %swap3A_46 = tpu.vector_load %arg9[%swap3A_45] {strides = array<i32>} : memref<128xf32, #tpu.memory_space<vmem>>, vector<16xf32>,
    tpu.vector_store %arg9[%swap3A_45], %broadcast_in_dim3A_39 {strides = array<i32>} : memref<128xf32, #tpu.memory_space<vmem>>, vector<16xf32>,
    %broadcast_in_dim3A_47 = arith.constant 0 : i32
    %broadcast_in_dim3A_48 = vector.broadcast %broadcast_in_dim3A_47 : i32 to vector<16xi32>
    %swap3A_49 = arith.constant 16 : index
    %swap3A_50 = tpu.vector_load %arg10[%swap3A_49] {strides = array<i32>} : memref<128xi32, #tpu.memory_space<vmem>>, vector<16xi32>,
    tpu.vector_store %arg10[%swap3A_49], %broadcast_in_dim3A_48 {strides = array<i32>} : memref<128xi32, #tpu.memory_space<vmem>>, vector<16xi32>,
    %swap3A_51 = arith.constant 32 : index
    %swap3A_52 = tpu.vector_load %arg9[%swap3A_51] {strides = array<i32>} : memref<128xf32, #tpu.memory_space<vmem>>, vector<16xf32>,
    tpu.vector_store %arg9[%swap3A_51], %broadcast_in_dim3A_39 {strides = array<i32>} : memref<128xf32, #tpu.memory_space<vmem>>, vector<16xf32>,
    %broadcast_in_dim3A_53 = arith.constant 0 : i32
    %broadcast_in_dim3A_54 = vector.broadcast %broadcast_in_dim3A_53 : i32 to vector<16xi32>
    %swap3A_55 = arith.constant 32 : index
    %swap3A_56 = tpu.vector_load %arg10[%swap3A_55] {strides = array<i32>} : memref<128xi32, #tpu.memory_space<vmem>>, vector<16xi32>,
    tpu.vector_store %arg10[%swap3A_55], %broadcast_in_dim3A_54 {strides = array<i32>} : memref<128xi32, #tpu.memory_space<vmem>>, vector<16xi32>,
    %swap3A_57 = arith.constant 48 : index
    %swap3A_58 = tpu.vector_load %arg9[%swap3A_57] {strides = array<i32>} : memref<128xf32, #tpu.memory_space<vmem>>, vector<16xf32>,
    tpu.vector_store %arg9[%swap3A_57], %broadcast_in_dim3A_39 {strides = array<i32>} : memref<128xf32, #tpu.memory_space<vmem>>, vector<16xf32>,
    %broadcast_in_dim3A_59 = arith.constant 0 : i32
    %broadcast_in_dim3A_60 = vector.broadcast %broadcast_in_dim3A_59 : i32 to vector<16xi32>
    %swap3A_61 = arith.constant 48 : index
    %swap3A_62 = tpu.vector_load %arg10[%swap3A_61] {strides = array<i32>} : memref<128xi32, #tpu.memory_space<vmem>>, vector<16xi32>,
    tpu.vector_store %arg10[%swap3A_61], %broadcast_in_dim3A_60 {strides = array<i32>} : memref<128xi32, #tpu.memory_space<vmem>>, vector<16xi32>,
    %swap3A_63 = arith.constant 64 : index
    %swap3A_64 = tpu.vector_load %arg9[%swap3A_63] {strides = array<i32>} : memref<128xf32, #tpu.memory_space<vmem>>, vector<16xf32>,
    tpu.vector_store %arg9[%swap3A_63], %broadcast_in_dim3A_39 {strides = array<i32>} : memref<128xf32, #tpu.memory_space<vmem>>, vector<16xf32>,
    %broadcast_in_dim3A_65 = arith.constant 0 : i32
    %broadcast_in_dim3A_66 = vector.broadcast %broadcast_in_dim3A_65 : i32 to vector<16xi32>
    %swap3A_67 = arith.constant 64 : index
    %swap3A_68 = tpu.vector_load %arg10[%swap3A_67] {strides = array<i32>} : memref<128xi32, #tpu.memory_space<vmem>>, vector<16xi32>,
    tpu.vector_store %arg10[%swap3A_67], %broadcast_in_dim3A_66 {strides = array<i32>} : memref<128xi32, #tpu.memory_space<vmem>>, vector<16xi32>,
    %swap3A_69 = arith.constant 80 : index
    %swap3A_70 = tpu.vector_load %arg9[%swap3A_69] {strides = array<i32>} : memref<128xf32, #tpu.memory_space<vmem>>, vector<16xf32>,
    tpu.vector_store %arg9[%swap3A_69], %broadcast_in_dim3A_39 {strides = array<i32>} : memref<128xf32, #tpu.memory_space<vmem>>, vector<16xf32>,
    %broadcast_in_dim3A_71 = arith.constant 0 : i32
    %broadcast_in_dim3A_72 = vector.broadcast %broadcast_in_dim3A_71 : i32 to vector<16xi32>
    %swap3A_73 = arith.constant 80 : index
    %swap3A_74 = tpu.vector_load %arg10[%swap3A_73] {strides = array<i32>} : memref<128xi32, #tpu.memory_space<vmem>>, vector<16xi32>,
    tpu.vector_store %arg10[%swap3A_73], %broadcast_in_dim3A_72 {strides = array<i32>} : memref<128xi32, #tpu.memory_space<vmem>>, vector<16xi32>,
    %swap3A_75 = arith.constant 96 : index
    %swap3A_76 = tpu.vector_load %arg9[%swap3A_75] {strides = array<i32>} : memref<128xf32, #tpu.memory_space<vmem>>, vector<16xf32>,
    tpu.vector_store %arg9[%swap3A_75], %broadcast_in_dim3A_39 {strides = array<i32>} : memref<128xf32, #tpu.memory_space<vmem>>, vector<16xf32>,
    %broadcast_in_dim3A_77 = arith.constant 0 : i32
    %broadcast_in_dim3A_78 = vector.broadcast %broadcast_in_dim3A_77 : i32 to vector<16xi32>
    %swap3A_79 = arith.constant 96 : index
    %swap3A_80 = tpu.vector_load %arg10[%swap3A_79] {strides = array<i32>} : memref<128xi32, #tpu.memory_space<vmem>>, vector<16xi32>,
    tpu.vector_store %arg10[%swap3A_79], %broadcast_in_dim3A_78 {strides = array<i32>} : memref<128xi32, #tpu.memory_space<vmem>>, vector<16xi32>,
    %swap3A_81 = arith.constant 112 : index
    %swap3A_82 = tpu.vector_load %arg9[%swap3A_81] {strides = array<i32>} : memref<128xf32, #tpu.memory_space<vmem>>, vector<16xf32>,
    tpu.vector_store %arg9[%swap3A_81], %broadcast_in_dim3A_39 {strides = array<i32>} : memref<128xf32, #tpu.memory_space<vmem>>, vector<16xf32>,
    %broadcast_in_dim3A_83 = arith.constant 0 : i32
    %broadcast_in_dim3A_84 = vector.broadcast %broadcast_in_dim3A_83 : i32 to vector<16xi32>
    %swap3A_85 = arith.constant 112 : index
    %swap3A_86 = tpu.vector_load %arg10[%swap3A_85] {strides = array<i32>} : memref<128xi32, #tpu.memory_space<vmem>>, vector<16xi32>,
    tpu.vector_store %arg10[%swap3A_85], %broadcast_in_dim3A_84 {strides = array<i32>} : memref<128xi32, #tpu.memory_space<vmem>>, vector<16xi32>,
    %add3A_87 = arith.constant 0 : i32
    %add3A_88 = vector.broadcast %add3A_87 : i32 to vector<16xi32>
    %add3A_89 = arith.addi %add3A_88, %iota3A : vector<16xi32>
    %add3A_90 = arith.constant 16 : i32
    %add3A_91 = vector.broadcast %add3A_90 : i32 to vector<16xi32>
    %add3A_92 = arith.addi %add3A_91, %iota3A : vector<16xi32>
    %add3A_93 = arith.constant 32 : i32
    %add3A_94 = vector.broadcast %add3A_93 : i32 to vector<16xi32>
    %add3A_95 = arith.addi %add3A_94, %iota3A : vector<16xi32>
    %add3A_96 = arith.constant 48 : i32
    %add3A_97 = vector.broadcast %add3A_96 : i32 to vector<16xi32>
    %add3A_98 = arith.addi %add3A_97, %iota3A : vector<16xi32>
    %add3A_99 = arith.constant 64 : i32
    %add3A_100 = vector.broadcast %add3A_99 : i32 to vector<16xi32>
    %add3A_101 = arith.addi %add3A_100, %iota3A : vector<16xi32>
    %add3A_102 = arith.constant 80 : i32
    %add3A_103 = vector.broadcast %add3A_102 : i32 to vector<16xi32>
    %add3A_104 = arith.addi %add3A_103, %iota3A : vector<16xi32>
    %add3A_105 = arith.constant 96 : i32
    %add3A_106 = vector.broadcast %add3A_105 : i32 to vector<16xi32>
    %add3A_107 = arith.addi %add3A_106, %iota3A : vector<16xi32>
    %add3A_108 = arith.constant 112 : i32
    %add3A_109 = vector.broadcast %add3A_108 : i32 to vector<16xi32>
    %add3A_110 = arith.addi %add3A_109, %iota3A : vector<16xi32>
    %add3A_111 = arith.constant 128 : i32
    %add3A_112 = vector.broadcast %add3A_111 : i32 to vector<16xi32>
    %add3A_113 = arith.addi %add3A_112, %iota3A : vector<16xi32>
    %add3A_114 = arith.constant 144 : i32
    %add3A_115 = vector.broadcast %add3A_114 : i32 to vector<16xi32>
    %add3A_116 = arith.addi %add3A_115, %iota3A : vector<16xi32>
    %add3A_117 = arith.constant 160 : i32
    %add3A_118 = vector.broadcast %add3A_117 : i32 to vector<16xi32>
    %add3A_119 = arith.addi %add3A_118, %iota3A : vector<16xi32>
    %add3A_120 = arith.constant 176 : i32
    %add3A_121 = vector.broadcast %add3A_120 : i32 to vector<16xi32>
    %add3A_122 = arith.addi %add3A_121, %iota3A : vector<16xi32>
    %add3A_123 = arith.constant 192 : i32
    %add3A_124 = vector.broadcast %add3A_123 : i32 to vector<16xi32>
    %add3A_125 = arith.addi %add3A_124, %iota3A : vector<16xi32>
    %add3A_126 = arith.constant 208 : i32
    %add3A_127 = vector.broadcast %add3A_126 : i32 to vector<16xi32>
    %add3A_128 = arith.addi %add3A_127, %iota3A : vector<16xi32>
    %add3A_129 = arith.constant 224 : i32
    %add3A_130 = vector.broadcast %add3A_129 : i32 to vector<16xi32>
    %add3A_131 = arith.addi %add3A_130, %iota3A : vector<16xi32>
    %add3A_132 = arith.constant 240 : i32
    %add3A_133 = vector.broadcast %add3A_132 : i32 to vector<16xi32>
    %add3A_134 = arith.addi %add3A_133, %iota3A : vector<16xi32>
    %add3A_135 = arith.constant 256 : i32
    %add3A_136 = vector.broadcast %add3A_135 : i32 to vector<16xi32>
    %add3A_137 = arith.addi %add3A_136, %iota3A : vector<16xi32>
    %add3A_138 = arith.constant 272 : i32
    %add3A_139 = vector.broadcast %add3A_138 : i32 to vector<16xi32>
    %add3A_140 = arith.addi %add3A_139, %iota3A : vector<16xi32>
    %lt3A = vector.broadcast %scan3A_36 : i32 to vector<16xi32>
    %lt3A_141 = arith.cmpi slt, %add3A_89, %lt3A : vector<16xi32>
    %get3A = arith.constant 0 : index
    %get3A_142 = tpu.vector_load %arg6[%get3A] {strides = array<i32>} : memref<288xf32, #tpu.memory_space<vmem>>, vector<16xf32>,
    %jit3A = arith.constant 0xFF800000 : f32
    %broadcast_in_dim3A_143 = vector.broadcast %jit3A : f32 to vector<16xf32>
    %select_n3A_144 = arith.select %lt3A_141, %get3A_142, %broadcast_in_dim3A_143 : vector<16xi1>, vector<16xf32>
    %lt3A_145 = vector.broadcast %scan3A_36 : i32 to vector<16xi32>
    %lt3A_146 = arith.cmpi slt, %add3A_92, %lt3A_145 : vector<16xi32>
    %get3A_147 = arith.constant 16 : index
    %get3A_148 = tpu.vector_load %arg6[%get3A_147] {strides = array<i32>} : memref<288xf32, #tpu.memory_space<vmem>>, vector<16xf32>,
    %jit3A_149 = arith.constant 0xFF800000 : f32
    %broadcast_in_dim3A_150 = vector.broadcast %jit3A_149 : f32 to vector<16xf32>
    %select_n3A_151 = arith.select %lt3A_146, %get3A_148, %broadcast_in_dim3A_150 : vector<16xi1>, vector<16xf32>
    %lt3A_152 = vector.broadcast %scan3A_36 : i32 to vector<16xi32>
    %lt3A_153 = arith.cmpi slt, %add3A_95, %lt3A_152 : vector<16xi32>
    %get3A_154 = arith.constant 32 : index
    %get3A_155 = tpu.vector_load %arg6[%get3A_154] {strides = array<i32>} : memref<288xf32, #tpu.memory_space<vmem>>, vector<16xf32>,
    %jit3A_156 = arith.constant 0xFF800000 : f32
    %broadcast_in_dim3A_157 = vector.broadcast %jit3A_156 : f32 to vector<16xf32>
    %select_n3A_158 = arith.select %lt3A_153, %get3A_155, %broadcast_in_dim3A_157 : vector<16xi1>, vector<16xf32>
    %lt3A_159 = vector.broadcast %scan3A_36 : i32 to vector<16xi32>
    %lt3A_160 = arith.cmpi slt, %add3A_98, %lt3A_159 : vector<16xi32>
    %get3A_161 = arith.constant 48 : index
    %get3A_162 = tpu.vector_load %arg6[%get3A_161] {strides = array<i32>} : memref<288xf32, #tpu.memory_space<vmem>>, vector<16xf32>,
    %jit3A_163 = arith.constant 0xFF800000 : f32
    %broadcast_in_dim3A_164 = vector.broadcast %jit3A_163 : f32 to vector<16xf32>
    %select_n3A_165 = arith.select %lt3A_160, %get3A_162, %broadcast_in_dim3A_164 : vector<16xi1>, vector<16xf32>
    %lt3A_166 = vector.broadcast %scan3A_36 : i32 to vector<16xi32>
    %lt3A_167 = arith.cmpi slt, %add3A_101, %lt3A_166 : vector<16xi32>
    %get3A_168 = arith.constant 64 : index
    %get3A_169 = tpu.vector_load %arg6[%get3A_168] {strides = array<i32>} : memref<288xf32, #tpu.memory_space<vmem>>, vector<16xf32>,
    %jit3A_170 = arith.constant 0xFF800000 : f32
    %broadcast_in_dim3A_171 = vector.broadcast %jit3A_170 : f32 to vector<16xf32>
    %select_n3A_172 = arith.select %lt3A_167, %get3A_169, %broadcast_in_dim3A_171 : vector<16xi1>, vector<16xf32>
    %lt3A_173 = vector.broadcast %scan3A_36 : i32 to vector<16xi32>
    %lt3A_174 = arith.cmpi slt, %add3A_104, %lt3A_173 : vector<16xi32>
    %get3A_175 = arith.constant 80 : index
    %get3A_176 = tpu.vector_load %arg6[%get3A_175] {strides = array<i32>} : memref<288xf32, #tpu.memory_space<vmem>>, vector<16xf32>,
    %jit3A_177 = arith.constant 0xFF800000 : f32
    %broadcast_in_dim3A_178 = vector.broadcast %jit3A_177 : f32 to vector<16xf32>
    %select_n3A_179 = arith.select %lt3A_174, %get3A_176, %broadcast_in_dim3A_178 : vector<16xi1>, vector<16xf32>
    %lt3A_180 = vector.broadcast %scan3A_36 : i32 to vector<16xi32>
    %lt3A_181 = arith.cmpi slt, %add3A_107, %lt3A_180 : vector<16xi32>
    %get3A_182 = arith.constant 96 : index
    %get3A_183 = tpu.vector_load %arg6[%get3A_182] {strides = array<i32>} : memref<288xf32, #tpu.memory_space<vmem>>, vector<16xf32>,
    %jit3A_184 = arith.constant 0xFF800000 : f32
    %broadcast_in_dim3A_185 = vector.broadcast %jit3A_184 : f32 to vector<16xf32>
    %select_n3A_186 = arith.select %lt3A_181, %get3A_183, %broadcast_in_dim3A_185 : vector<16xi1>, vector<16xf32>
    %lt3A_187 = vector.broadcast %scan3A_36 : i32 to vector<16xi32>
    %lt3A_188 = arith.cmpi slt, %add3A_110, %lt3A_187 : vector<16xi32>
    %get3A_189 = arith.constant 112 : index
    %get3A_190 = tpu.vector_load %arg6[%get3A_189] {strides = array<i32>} : memref<288xf32, #tpu.memory_space<vmem>>, vector<16xf32>,
    %jit3A_191 = arith.constant 0xFF800000 : f32
    %broadcast_in_dim3A_192 = vector.broadcast %jit3A_191 : f32 to vector<16xf32>
    %select_n3A_193 = arith.select %lt3A_188, %get3A_190, %broadcast_in_dim3A_192 : vector<16xi1>, vector<16xf32>
    %lt3A_194 = vector.broadcast %scan3A_36 : i32 to vector<16xi32>
    %lt3A_195 = arith.cmpi slt, %add3A_113, %lt3A_194 : vector<16xi32>
    %get3A_196 = arith.constant 128 : index
    %get3A_197 = tpu.vector_load %arg6[%get3A_196] {strides = array<i32>} : memref<288xf32, #tpu.memory_space<vmem>>, vector<16xf32>,
    %jit3A_198 = arith.constant 0xFF800000 : f32
    %broadcast_in_dim3A_199 = vector.broadcast %jit3A_198 : f32 to vector<16xf32>
    %select_n3A_200 = arith.select %lt3A_195, %get3A_197, %broadcast_in_dim3A_199 : vector<16xi1>, vector<16xf32>
    %lt3A_201 = vector.broadcast %scan3A_36 : i32 to vector<16xi32>
    %lt3A_202 = arith.cmpi slt, %add3A_116, %lt3A_201 : vector<16xi32>
    %get3A_203 = arith.constant 144 : index
    %get3A_204 = tpu.vector_load %arg6[%get3A_203] {strides = array<i32>} : memref<288xf32, #tpu.memory_space<vmem>>, vector<16xf32>,
    %jit3A_205 = arith.constant 0xFF800000 : f32
    %broadcast_in_dim3A_206 = vector.broadcast %jit3A_205 : f32 to vector<16xf32>
    %select_n3A_207 = arith.select %lt3A_202, %get3A_204, %broadcast_in_dim3A_206 : vector<16xi1>, vector<16xf32>
    %lt3A_208 = vector.broadcast %scan3A_36 : i32 to vector<16xi32>
    %lt3A_209 = arith.cmpi slt, %add3A_119, %lt3A_208 : vector<16xi32>
    %get3A_210 = arith.constant 160 : index
    %get3A_211 = tpu.vector_load %arg6[%get3A_210] {strides = array<i32>} : memref<288xf32, #tpu.memory_space<vmem>>, vector<16xf32>,
    %jit3A_212 = arith.constant 0xFF800000 : f32
    %broadcast_in_dim3A_213 = vector.broadcast %jit3A_212 : f32 to vector<16xf32>
    %select_n3A_214 = arith.select %lt3A_209, %get3A_211, %broadcast_in_dim3A_213 : vector<16xi1>, vector<16xf32>
    %lt3A_215 = vector.broadcast %scan3A_36 : i32 to vector<16xi32>
    %lt3A_216 = arith.cmpi slt, %add3A_122, %lt3A_215 : vector<16xi32>
    %get3A_217 = arith.constant 176 : index
    %get3A_218 = tpu.vector_load %arg6[%get3A_217] {strides = array<i32>} : memref<288xf32, #tpu.memory_space<vmem>>, vector<16xf32>,
    %jit3A_219 = arith.constant 0xFF800000 : f32
    %broadcast_in_dim3A_220 = vector.broadcast %jit3A_219 : f32 to vector<16xf32>
    %select_n3A_221 = arith.select %lt3A_216, %get3A_218, %broadcast_in_dim3A_220 : vector<16xi1>, vector<16xf32>
    %lt3A_222 = vector.broadcast %scan3A_36 : i32 to vector<16xi32>
    %lt3A_223 = arith.cmpi slt, %add3A_125, %lt3A_222 : vector<16xi32>
    %get3A_224 = arith.constant 192 : index
    %get3A_225 = tpu.vector_load %arg6[%get3A_224] {strides = array<i32>} : memref<288xf32, #tpu.memory_space<vmem>>, vector<16xf32>,
    %jit3A_226 = arith.constant 0xFF800000 : f32
    %broadcast_in_dim3A_227 = vector.broadcast %jit3A_226 : f32 to vector<16xf32>
    %select_n3A_228 = arith.select %lt3A_223, %get3A_225, %broadcast_in_dim3A_227 : vector<16xi1>, vector<16xf32>
    %lt3A_229 = vector.broadcast %scan3A_36 : i32 to vector<16xi32>
    %lt3A_230 = arith.cmpi slt, %add3A_128, %lt3A_229 : vector<16xi32>
    %get3A_231 = arith.constant 208 : index
    %get3A_232 = tpu.vector_load %arg6[%get3A_231] {strides = array<i32>} : memref<288xf32, #tpu.memory_space<vmem>>, vector<16xf32>,
    %jit3A_233 = arith.constant 0xFF800000 : f32
    %broadcast_in_dim3A_234 = vector.broadcast %jit3A_233 : f32 to vector<16xf32>
    %select_n3A_235 = arith.select %lt3A_230, %get3A_232, %broadcast_in_dim3A_234 : vector<16xi1>, vector<16xf32>
    %lt3A_236 = vector.broadcast %scan3A_36 : i32 to vector<16xi32>
    %lt3A_237 = arith.cmpi slt, %add3A_131, %lt3A_236 : vector<16xi32>
    %get3A_238 = arith.constant 224 : index
    %get3A_239 = tpu.vector_load %arg6[%get3A_238] {strides = array<i32>} : memref<288xf32, #tpu.memory_space<vmem>>, vector<16xf32>,
    %jit3A_240 = arith.constant 0xFF800000 : f32
    %broadcast_in_dim3A_241 = vector.broadcast %jit3A_240 : f32 to vector<16xf32>
    %select_n3A_242 = arith.select %lt3A_237, %get3A_239, %broadcast_in_dim3A_241 : vector<16xi1>, vector<16xf32>
    %lt3A_243 = vector.broadcast %scan3A_36 : i32 to vector<16xi32>
    %lt3A_244 = arith.cmpi slt, %add3A_134, %lt3A_243 : vector<16xi32>
    %get3A_245 = arith.constant 240 : index
    %get3A_246 = tpu.vector_load %arg6[%get3A_245] {strides = array<i32>} : memref<288xf32, #tpu.memory_space<vmem>>, vector<16xf32>,
    %jit3A_247 = arith.constant 0xFF800000 : f32
    %broadcast_in_dim3A_248 = vector.broadcast %jit3A_247 : f32 to vector<16xf32>
    %select_n3A_249 = arith.select %lt3A_244, %get3A_246, %broadcast_in_dim3A_248 : vector<16xi1>, vector<16xf32>
    %lt3A_250 = vector.broadcast %scan3A_36 : i32 to vector<16xi32>
    %lt3A_251 = arith.cmpi slt, %add3A_137, %lt3A_250 : vector<16xi32>
    %get3A_252 = arith.constant 256 : index
    %get3A_253 = tpu.vector_load %arg6[%get3A_252] {strides = array<i32>} : memref<288xf32, #tpu.memory_space<vmem>>, vector<16xf32>,
    %jit3A_254 = arith.constant 0xFF800000 : f32
    %broadcast_in_dim3A_255 = vector.broadcast %jit3A_254 : f32 to vector<16xf32>
    %select_n3A_256 = arith.select %lt3A_251, %get3A_253, %broadcast_in_dim3A_255 : vector<16xi1>, vector<16xf32>
    %lt3A_257 = vector.broadcast %scan3A_36 : i32 to vector<16xi32>
    %lt3A_258 = arith.cmpi slt, %add3A_140, %lt3A_257 : vector<16xi32>
    %get3A_259 = arith.constant 272 : index
    %get3A_260 = tpu.vector_load %arg6[%get3A_259] {strides = array<i32>} : memref<288xf32, #tpu.memory_space<vmem>>, vector<16xf32>,
    %jit3A_261 = arith.constant 0xFF800000 : f32
    %broadcast_in_dim3A_262 = vector.broadcast %jit3A_261 : f32 to vector<16xf32>
    %select_n3A_263 = arith.select %lt3A_258, %get3A_260, %broadcast_in_dim3A_262 : vector<16xi1>, vector<16xf32>
    %eq3A = arith.constant 0 : i32
    %eq3A_264 = vector.broadcast %eq3A : i32 to vector<16xi32>
    %eq3A_265 = arith.cmpi eq, %iota3A, %eq3A_264 : vector<16xi32>
    %scan3A_266 = arith.constant 0 : i32
    %scan3A_267 = arith.constant 100 : i32
    %scan3A_268 = arith.addi %scan3A_266, %scan3A_267 : i32
    %scan3A_269 = arith.constant 1 : i32
    %scan3A_270:18 = scf.for %scan3A_272 = %scan3A_266 to %scan3A_268 step %scan3A_269 iter_args(%scan3A_273 = %select_n3A_144, %scan3A_274 = %select_n3A_151, %scan3A_275 = %select_n3A_158, %scan3A_276 = %select_n3A_165, %scan3A_277 = %select_n3A_172, %scan3A_278 = %select_n3A_179, %scan3A_279 = %select_n3A_186, %scan3A_280 = %select_n3A_193, %scan3A_281 = %select_n3A_200, %scan3A_282 = %select_n3A_207, %scan3A_283 = %select_n3A_214, %scan3A_284 = %select_n3A_221, %scan3A_285 = %select_n3A_228, %scan3A_286 = %select_n3A_235, %scan3A_287 = %select_n3A_242, %scan3A_288 = %select_n3A_249, %scan3A_289 = %select_n3A_256, %scan3A_290 = %select_n3A_263) -> (vector<16xf32>, vector<16xf32>, vector<16xf32>, vector<16xf32>, vector<16xf32>, vector<16xf32>, vector<16xf32>, vector<16xf32>, vector<16xf32>, vector<16xf32>, vector<16xf32>, vector<16xf32>, vector<16xf32>, vector<16xf32>, vector<16xf32>, vector<16xf32>, vector<16xf32>, vector<16xf32>)  : i32 {
      %max3A = arith.maximumf %scan3A_273, %scan3A_274 : vector<16xf32>
      %max3A_291 = arith.maximumf %max3A, %scan3A_275 : vector<16xf32>
      %max3A_292 = arith.maximumf %max3A_291, %scan3A_276 : vector<16xf32>
      %max3A_293 = arith.maximumf %max3A_292, %scan3A_277 : vector<16xf32>
      %max3A_294 = arith.maximumf %max3A_293, %scan3A_278 : vector<16xf32>
      %max3A_295 = arith.maximumf %max3A_294, %scan3A_279 : vector<16xf32>
      %max3A_296 = arith.maximumf %max3A_295, %scan3A_280 : vector<16xf32>
      %max3A_297 = arith.maximumf %max3A_296, %scan3A_281 : vector<16xf32>
      %max3A_298 = arith.maximumf %max3A_297, %scan3A_282 : vector<16xf32>
      %max3A_299 = arith.maximumf %max3A_298, %scan3A_283 : vector<16xf32>
      %max3A_300 = arith.maximumf %max3A_299, %scan3A_284 : vector<16xf32>
      %max3A_301 = arith.maximumf %max3A_300, %scan3A_285 : vector<16xf32>
      %max3A_302 = arith.maximumf %max3A_301, %scan3A_286 : vector<16xf32>
      %max3A_303 = arith.maximumf %max3A_302, %scan3A_287 : vector<16xf32>
      %max3A_304 = arith.maximumf %max3A_303, %scan3A_288 : vector<16xf32>
      %max3A_305 = arith.maximumf %max3A_304, %scan3A_289 : vector<16xf32>
      %max3A_306 = arith.maximumf %max3A_305, %scan3A_290 : vector<16xf32>
      %reduce_max3A_307 = arith.constant true
      %reduce_max3A_308 = vector.broadcast %reduce_max3A_307 : i1 to vector<16xi1>
      %reduce_max3A_309 = tpu.scan <max>, %max3A_306 masked %reduce_max3A_308 : vector<16xf32>, vector<16xi1> -> vector<16xf32>
      %reduce_max3A_310 = vector.extract %reduce_max3A_309[15] : f32 from vector<16xf32>
      %broadcast_in_dim3A_311 = arith.constant 288 : i32
      %broadcast_in_dim3A_312 = vector.broadcast %broadcast_in_dim3A_311 : i32 to vector<16xi32>
      %eq3A_313 = vector.broadcast %reduce_max3A_310 : f32 to vector<16xf32>
      %eq3A_314 = arith.cmpf oeq, %scan3A_273, %eq3A_313 : vector<16xf32>
      %jit3A_315 = arith.constant 288 : i32
      %broadcast_in_dim3A_316 = vector.broadcast %jit3A_315 : i32 to vector<16xi32>
      %select_n3A_317 = arith.select %eq3A_314, %add3A_89, %broadcast_in_dim3A_316 : vector<16xi1>, vector<16xi32>
      %min3A = arith.minsi %broadcast_in_dim3A_312, %select_n3A_317 : vector<16xi32>
      %eq3A_318 = vector.broadcast %reduce_max3A_310 : f32 to vector<16xf32>
      %eq3A_319 = arith.cmpf oeq, %scan3A_274, %eq3A_318 : vector<16xf32>
      %jit3A_320 = arith.constant 288 : i32
      %broadcast_in_dim3A_321 = vector.broadcast %jit3A_320 : i32 to vector<16xi32>
      %select_n3A_322 = arith.select %eq3A_319, %add3A_92, %broadcast_in_dim3A_321 : vector<16xi1>, vector<16xi32>
      %min3A_323 = arith.minsi %min3A, %select_n3A_322 : vector<16xi32>
      %eq3A_324 = vector.broadcast %reduce_max3A_310 : f32 to vector<16xf32>
      %eq3A_325 = arith.cmpf oeq, %scan3A_275, %eq3A_324 : vector<16xf32>
      %jit3A_326 = arith.constant 288 : i32
      %broadcast_in_dim3A_327 = vector.broadcast %jit3A_326 : i32 to vector<16xi32>
      %select_n3A_328 = arith.select %eq3A_325, %add3A_95, %broadcast_in_dim3A_327 : vector<16xi1>, vector<16xi32>
      %min3A_329 = arith.minsi %min3A_323, %select_n3A_328 : vector<16xi32>
      %eq3A_330 = vector.broadcast %reduce_max3A_310 : f32 to vector<16xf32>
      %eq3A_331 = arith.cmpf oeq, %scan3A_276, %eq3A_330 : vector<16xf32>
      %jit3A_332 = arith.constant 288 : i32
      %broadcast_in_dim3A_333 = vector.broadcast %jit3A_332 : i32 to vector<16xi32>
      %select_n3A_334 = arith.select %eq3A_331, %add3A_98, %broadcast_in_dim3A_333 : vector<16xi1>, vector<16xi32>
      %min3A_335 = arith.minsi %min3A_329, %select_n3A_334 : vector<16xi32>
      %eq3A_336 = vector.broadcast %reduce_max3A_310 : f32 to vector<16xf32>
      %eq3A_337 = arith.cmpf oeq, %scan3A_277, %eq3A_336 : vector<16xf32>
      %jit3A_338 = arith.constant 288 : i32
      %broadcast_in_dim3A_339 = vector.broadcast %jit3A_338 : i32 to vector<16xi32>
      %select_n3A_340 = arith.select %eq3A_337, %add3A_101, %broadcast_in_dim3A_339 : vector<16xi1>, vector<16xi32>
      %min3A_341 = arith.minsi %min3A_335, %select_n3A_340 : vector<16xi32>
      %eq3A_342 = vector.broadcast %reduce_max3A_310 : f32 to vector<16xf32>
      %eq3A_343 = arith.cmpf oeq, %scan3A_278, %eq3A_342 : vector<16xf32>
      %jit3A_344 = arith.constant 288 : i32
      %broadcast_in_dim3A_345 = vector.broadcast %jit3A_344 : i32 to vector<16xi32>
      %select_n3A_346 = arith.select %eq3A_343, %add3A_104, %broadcast_in_dim3A_345 : vector<16xi1>, vector<16xi32>
      %min3A_347 = arith.minsi %min3A_341, %select_n3A_346 : vector<16xi32>
      %eq3A_348 = vector.broadcast %reduce_max3A_310 : f32 to vector<16xf32>
      %eq3A_349 = arith.cmpf oeq, %scan3A_279, %eq3A_348 : vector<16xf32>
      %jit3A_350 = arith.constant 288 : i32
      %broadcast_in_dim3A_351 = vector.broadcast %jit3A_350 : i32 to vector<16xi32>
      %select_n3A_352 = arith.select %eq3A_349, %add3A_107, %broadcast_in_dim3A_351 : vector<16xi1>, vector<16xi32>
      %min3A_353 = arith.minsi %min3A_347, %select_n3A_352 : vector<16xi32>
      %eq3A_354 = vector.broadcast %reduce_max3A_310 : f32 to vector<16xf32>
      %eq3A_355 = arith.cmpf oeq, %scan3A_280, %eq3A_354 : vector<16xf32>
      %jit3A_356 = arith.constant 288 : i32
      %broadcast_in_dim3A_357 = vector.broadcast %jit3A_356 : i32 to vector<16xi32>
      %select_n3A_358 = arith.select %eq3A_355, %add3A_110, %broadcast_in_dim3A_357 : vector<16xi1>, vector<16xi32>
      %min3A_359 = arith.minsi %min3A_353, %select_n3A_358 : vector<16xi32>
      %eq3A_360 = vector.broadcast %reduce_max3A_310 : f32 to vector<16xf32>
      %eq3A_361 = arith.cmpf oeq, %scan3A_281, %eq3A_360 : vector<16xf32>
      %jit3A_362 = arith.constant 288 : i32
      %broadcast_in_dim3A_363 = vector.broadcast %jit3A_362 : i32 to vector<16xi32>
      %select_n3A_364 = arith.select %eq3A_361, %add3A_113, %broadcast_in_dim3A_363 : vector<16xi1>, vector<16xi32>
      %min3A_365 = arith.minsi %min3A_359, %select_n3A_364 : vector<16xi32>
      %eq3A_366 = vector.broadcast %reduce_max3A_310 : f32 to vector<16xf32>
      %eq3A_367 = arith.cmpf oeq, %scan3A_282, %eq3A_366 : vector<16xf32>
      %jit3A_368 = arith.constant 288 : i32
      %broadcast_in_dim3A_369 = vector.broadcast %jit3A_368 : i32 to vector<16xi32>
      %select_n3A_370 = arith.select %eq3A_367, %add3A_116, %broadcast_in_dim3A_369 : vector<16xi1>, vector<16xi32>
      %min3A_371 = arith.minsi %min3A_365, %select_n3A_370 : vector<16xi32>
      %eq3A_372 = vector.broadcast %reduce_max3A_310 : f32 to vector<16xf32>
      %eq3A_373 = arith.cmpf oeq, %scan3A_283, %eq3A_372 : vector<16xf32>
      %jit3A_374 = arith.constant 288 : i32
      %broadcast_in_dim3A_375 = vector.broadcast %jit3A_374 : i32 to vector<16xi32>
      %select_n3A_376 = arith.select %eq3A_373, %add3A_119, %broadcast_in_dim3A_375 : vector<16xi1>, vector<16xi32>
      %min3A_377 = arith.minsi %min3A_371, %select_n3A_376 : vector<16xi32>
      %eq3A_378 = vector.broadcast %reduce_max3A_310 : f32 to vector<16xf32>
      %eq3A_379 = arith.cmpf oeq, %scan3A_284, %eq3A_378 : vector<16xf32>
      %jit3A_380 = arith.constant 288 : i32
      %broadcast_in_dim3A_381 = vector.broadcast %jit3A_380 : i32 to vector<16xi32>
      %select_n3A_382 = arith.select %eq3A_379, %add3A_122, %broadcast_in_dim3A_381 : vector<16xi1>, vector<16xi32>
      %min3A_383 = arith.minsi %min3A_377, %select_n3A_382 : vector<16xi32>
      %eq3A_384 = vector.broadcast %reduce_max3A_310 : f32 to vector<16xf32>
      %eq3A_385 = arith.cmpf oeq, %scan3A_285, %eq3A_384 : vector<16xf32>
      %jit3A_386 = arith.constant 288 : i32
      %broadcast_in_dim3A_387 = vector.broadcast %jit3A_386 : i32 to vector<16xi32>
      %select_n3A_388 = arith.select %eq3A_385, %add3A_125, %broadcast_in_dim3A_387 : vector<16xi1>, vector<16xi32>
      %min3A_389 = arith.minsi %min3A_383, %select_n3A_388 : vector<16xi32>
      %eq3A_390 = vector.broadcast %reduce_max3A_310 : f32 to vector<16xf32>
      %eq3A_391 = arith.cmpf oeq, %scan3A_286, %eq3A_390 : vector<16xf32>
      %jit3A_392 = arith.constant 288 : i32
      %broadcast_in_dim3A_393 = vector.broadcast %jit3A_392 : i32 to vector<16xi32>
      %select_n3A_394 = arith.select %eq3A_391, %add3A_128, %broadcast_in_dim3A_393 : vector<16xi1>, vector<16xi32>
      %min3A_395 = arith.minsi %min3A_389, %select_n3A_394 : vector<16xi32>
      %eq3A_396 = vector.broadcast %reduce_max3A_310 : f32 to vector<16xf32>
      %eq3A_397 = arith.cmpf oeq, %scan3A_287, %eq3A_396 : vector<16xf32>
      %jit3A_398 = arith.constant 288 : i32
      %broadcast_in_dim3A_399 = vector.broadcast %jit3A_398 : i32 to vector<16xi32>
      %select_n3A_400 = arith.select %eq3A_397, %add3A_131, %broadcast_in_dim3A_399 : vector<16xi1>, vector<16xi32>
      %min3A_401 = arith.minsi %min3A_395, %select_n3A_400 : vector<16xi32>
      %eq3A_402 = vector.broadcast %reduce_max3A_310 : f32 to vector<16xf32>
      %eq3A_403 = arith.cmpf oeq, %scan3A_288, %eq3A_402 : vector<16xf32>
      %jit3A_404 = arith.constant 288 : i32
      %broadcast_in_dim3A_405 = vector.broadcast %jit3A_404 : i32 to vector<16xi32>
      %select_n3A_406 = arith.select %eq3A_403, %add3A_134, %broadcast_in_dim3A_405 : vector<16xi1>, vector<16xi32>
      %min3A_407 = arith.minsi %min3A_401, %select_n3A_406 : vector<16xi32>
      %eq3A_408 = vector.broadcast %reduce_max3A_310 : f32 to vector<16xf32>
      %eq3A_409 = arith.cmpf oeq, %scan3A_289, %eq3A_408 : vector<16xf32>
      %jit3A_410 = arith.constant 288 : i32
      %broadcast_in_dim3A_411 = vector.broadcast %jit3A_410 : i32 to vector<16xi32>
      %select_n3A_412 = arith.select %eq3A_409, %add3A_137, %broadcast_in_dim3A_411 : vector<16xi1>, vector<16xi32>
      %min3A_413 = arith.minsi %min3A_407, %select_n3A_412 : vector<16xi32>
      %eq3A_414 = vector.broadcast %reduce_max3A_310 : f32 to vector<16xf32>
      %eq3A_415 = arith.cmpf oeq, %scan3A_290, %eq3A_414 : vector<16xf32>
      %jit3A_416 = arith.constant 288 : i32
      %broadcast_in_dim3A_417 = vector.broadcast %jit3A_416 : i32 to vector<16xi32>
      %select_n3A_418 = arith.select %eq3A_415, %add3A_140, %broadcast_in_dim3A_417 : vector<16xi1>, vector<16xi32>
      %min3A_419 = arith.minsi %min3A_413, %select_n3A_418 : vector<16xi32>
      %reduce_min3A = arith.constant true
      %reduce_min3A_420 = vector.broadcast %reduce_min3A : i1 to vector<16xi1>
      %reduce_min3A_421 = arith.constant -2147483648 : i32
      %reduce_min3A_422 = vector.broadcast %reduce_min3A_421 : i32 to vector<16xi32>
      %reduce_min3A_423 = arith.xori %min3A_419, %reduce_min3A_422 : vector<16xi32>
      %reduce_min3A_424 = tpu.scan <min>, %reduce_min3A_423 masked %reduce_min3A_420 : vector<16xi32>, vector<16xi1> -> vector<16xi32>
      %reduce_min3A_425 = arith.xori %reduce_min3A_424, %reduce_min3A_422 : vector<16xi32>
      %reduce_min3A_426 = vector.extract %reduce_min3A_425[15] : i32 from vector<16xi32>
      %broadcast_in_dim3A_427 = vector.broadcast %reduce_min3A_426 : i32 to vector<16xi32>
      %gather3A = tpu.vector_load_idx %arg7[%broadcast_in_dim3A_427] : memref<288xi32, #tpu.memory_space<vmem>>[vector<16xi32>], vector<16xi32>,
      %broadcast_in_dim3A_428 = vector.broadcast %scan3A_272 : i32 to vector<16xi32>
      %broadcast_in_dim3A_429 = vector.broadcast %reduce_max3A_310 : f32 to vector<16xf32>
      tpu.vector_store_idx %arg9[%broadcast_in_dim3A_428], %broadcast_in_dim3A_429 masked %eq3A_265 : memref<128xf32, #tpu.memory_space<vmem>>[vector<16xi32>], vector<16xf32>, vector<16xi1>
      tpu.vector_store_idx %arg10[%broadcast_in_dim3A_428], %gather3A masked %eq3A_265 : memref<128xi32, #tpu.memory_space<vmem>>[vector<16xi32>], vector<16xi32>, vector<16xi1>
      %eq3A_430 = vector.broadcast %reduce_min3A_426 : i32 to vector<16xi32>
      %eq3A_431 = arith.cmpi eq, %add3A_89, %eq3A_430 : vector<16xi32>
      %jit3A_432 = arith.constant 0xFF800000 : f32
      %broadcast_in_dim3A_433 = vector.broadcast %jit3A_432 : f32 to vector<16xf32>
      %select_n3A_434 = arith.select %eq3A_431, %broadcast_in_dim3A_433, %scan3A_273 : vector<16xi1>, vector<16xf32>
      %eq3A_435 = vector.broadcast %reduce_min3A_426 : i32 to vector<16xi32>
      %eq3A_436 = arith.cmpi eq, %add3A_92, %eq3A_435 : vector<16xi32>
      %jit3A_437 = arith.constant 0xFF800000 : f32
      %broadcast_in_dim3A_438 = vector.broadcast %jit3A_437 : f32 to vector<16xf32>
      %select_n3A_439 = arith.select %eq3A_436, %broadcast_in_dim3A_438, %scan3A_274 : vector<16xi1>, vector<16xf32>
      %eq3A_440 = vector.broadcast %reduce_min3A_426 : i32 to vector<16xi32>
      %eq3A_441 = arith.cmpi eq, %add3A_95, %eq3A_440 : vector<16xi32>
      %jit3A_442 = arith.constant 0xFF800000 : f32
      %broadcast_in_dim3A_443 = vector.broadcast %jit3A_442 : f32 to vector<16xf32>
      %select_n3A_444 = arith.select %eq3A_441, %broadcast_in_dim3A_443, %scan3A_275 : vector<16xi1>, vector<16xf32>
      %eq3A_445 = vector.broadcast %reduce_min3A_426 : i32 to vector<16xi32>
      %eq3A_446 = arith.cmpi eq, %add3A_98, %eq3A_445 : vector<16xi32>
      %jit3A_447 = arith.constant 0xFF800000 : f32
      %broadcast_in_dim3A_448 = vector.broadcast %jit3A_447 : f32 to vector<16xf32>
      %select_n3A_449 = arith.select %eq3A_446, %broadcast_in_dim3A_448, %scan3A_276 : vector<16xi1>, vector<16xf32>
      %eq3A_450 = vector.broadcast %reduce_min3A_426 : i32 to vector<16xi32>
      %eq3A_451 = arith.cmpi eq, %add3A_101, %eq3A_450 : vector<16xi32>
      %jit3A_452 = arith.constant 0xFF800000 : f32
      %broadcast_in_dim3A_453 = vector.broadcast %jit3A_452 : f32 to vector<16xf32>
      %select_n3A_454 = arith.select %eq3A_451, %broadcast_in_dim3A_453, %scan3A_277 : vector<16xi1>, vector<16xf32>
      %eq3A_455 = vector.broadcast %reduce_min3A_426 : i32 to vector<16xi32>
      %eq3A_456 = arith.cmpi eq, %add3A_104, %eq3A_455 : vector<16xi32>
      %jit3A_457 = arith.constant 0xFF800000 : f32
      %broadcast_in_dim3A_458 = vector.broadcast %jit3A_457 : f32 to vector<16xf32>
      %select_n3A_459 = arith.select %eq3A_456, %broadcast_in_dim3A_458, %scan3A_278 : vector<16xi1>, vector<16xf32>
      %eq3A_460 = vector.broadcast %reduce_min3A_426 : i32 to vector<16xi32>
      %eq3A_461 = arith.cmpi eq, %add3A_107, %eq3A_460 : vector<16xi32>
      %jit3A_462 = arith.constant 0xFF800000 : f32
      %broadcast_in_dim3A_463 = vector.broadcast %jit3A_462 : f32 to vector<16xf32>
      %select_n3A_464 = arith.select %eq3A_461, %broadcast_in_dim3A_463, %scan3A_279 : vector<16xi1>, vector<16xf32>
      %eq3A_465 = vector.broadcast %reduce_min3A_426 : i32 to vector<16xi32>
      %eq3A_466 = arith.cmpi eq, %add3A_110, %eq3A_465 : vector<16xi32>
      %jit3A_467 = arith.constant 0xFF800000 : f32
      %broadcast_in_dim3A_468 = vector.broadcast %jit3A_467 : f32 to vector<16xf32>
      %select_n3A_469 = arith.select %eq3A_466, %broadcast_in_dim3A_468, %scan3A_280 : vector<16xi1>, vector<16xf32>
      %eq3A_470 = vector.broadcast %reduce_min3A_426 : i32 to vector<16xi32>
      %eq3A_471 = arith.cmpi eq, %add3A_113, %eq3A_470 : vector<16xi32>
      %jit3A_472 = arith.constant 0xFF800000 : f32
      %broadcast_in_dim3A_473 = vector.broadcast %jit3A_472 : f32 to vector<16xf32>
      %select_n3A_474 = arith.select %eq3A_471, %broadcast_in_dim3A_473, %scan3A_281 : vector<16xi1>, vector<16xf32>
      %eq3A_475 = vector.broadcast %reduce_min3A_426 : i32 to vector<16xi32>
      %eq3A_476 = arith.cmpi eq, %add3A_116, %eq3A_475 : vector<16xi32>
      %jit3A_477 = arith.constant 0xFF800000 : f32
      %broadcast_in_dim3A_478 = vector.broadcast %jit3A_477 : f32 to vector<16xf32>
      %select_n3A_479 = arith.select %eq3A_476, %broadcast_in_dim3A_478, %scan3A_282 : vector<16xi1>, vector<16xf32>
      %eq3A_480 = vector.broadcast %reduce_min3A_426 : i32 to vector<16xi32>
      %eq3A_481 = arith.cmpi eq, %add3A_119, %eq3A_480 : vector<16xi32>
      %jit3A_482 = arith.constant 0xFF800000 : f32
      %broadcast_in_dim3A_483 = vector.broadcast %jit3A_482 : f32 to vector<16xf32>
      %select_n3A_484 = arith.select %eq3A_481, %broadcast_in_dim3A_483, %scan3A_283 : vector<16xi1>, vector<16xf32>
      %eq3A_485 = vector.broadcast %reduce_min3A_426 : i32 to vector<16xi32>
      %eq3A_486 = arith.cmpi eq, %add3A_122, %eq3A_485 : vector<16xi32>
      %jit3A_487 = arith.constant 0xFF800000 : f32
      %broadcast_in_dim3A_488 = vector.broadcast %jit3A_487 : f32 to vector<16xf32>
      %select_n3A_489 = arith.select %eq3A_486, %broadcast_in_dim3A_488, %scan3A_284 : vector<16xi1>, vector<16xf32>
      %eq3A_490 = vector.broadcast %reduce_min3A_426 : i32 to vector<16xi32>
      %eq3A_491 = arith.cmpi eq, %add3A_125, %eq3A_490 : vector<16xi32>
      %jit3A_492 = arith.constant 0xFF800000 : f32
      %broadcast_in_dim3A_493 = vector.broadcast %jit3A_492 : f32 to vector<16xf32>
      %select_n3A_494 = arith.select %eq3A_491, %broadcast_in_dim3A_493, %scan3A_285 : vector<16xi1>, vector<16xf32>
      %eq3A_495 = vector.broadcast %reduce_min3A_426 : i32 to vector<16xi32>
      %eq3A_496 = arith.cmpi eq, %add3A_128, %eq3A_495 : vector<16xi32>
      %jit3A_497 = arith.constant 0xFF800000 : f32
      %broadcast_in_dim3A_498 = vector.broadcast %jit3A_497 : f32 to vector<16xf32>
      %select_n3A_499 = arith.select %eq3A_496, %broadcast_in_dim3A_498, %scan3A_286 : vector<16xi1>, vector<16xf32>
      %eq3A_500 = vector.broadcast %reduce_min3A_426 : i32 to vector<16xi32>
      %eq3A_501 = arith.cmpi eq, %add3A_131, %eq3A_500 : vector<16xi32>
      %jit3A_502 = arith.constant 0xFF800000 : f32
      %broadcast_in_dim3A_503 = vector.broadcast %jit3A_502 : f32 to vector<16xf32>
      %select_n3A_504 = arith.select %eq3A_501, %broadcast_in_dim3A_503, %scan3A_287 : vector<16xi1>, vector<16xf32>
      %eq3A_505 = vector.broadcast %reduce_min3A_426 : i32 to vector<16xi32>
      %eq3A_506 = arith.cmpi eq, %add3A_134, %eq3A_505 : vector<16xi32>
      %jit3A_507 = arith.constant 0xFF800000 : f32
      %broadcast_in_dim3A_508 = vector.broadcast %jit3A_507 : f32 to vector<16xf32>
      %select_n3A_509 = arith.select %eq3A_506, %broadcast_in_dim3A_508, %scan3A_288 : vector<16xi1>, vector<16xf32>
      %eq3A_510 = vector.broadcast %reduce_min3A_426 : i32 to vector<16xi32>
      %eq3A_511 = arith.cmpi eq, %add3A_137, %eq3A_510 : vector<16xi32>
      %jit3A_512 = arith.constant 0xFF800000 : f32
      %broadcast_in_dim3A_513 = vector.broadcast %jit3A_512 : f32 to vector<16xf32>
      %select_n3A_514 = arith.select %eq3A_511, %broadcast_in_dim3A_513, %scan3A_289 : vector<16xi1>, vector<16xf32>
      %eq3A_515 = vector.broadcast %reduce_min3A_426 : i32 to vector<16xi32>
      %eq3A_516 = arith.cmpi eq, %add3A_140, %eq3A_515 : vector<16xi32>
      %jit3A_517 = arith.constant 0xFF800000 : f32
      %broadcast_in_dim3A_518 = vector.broadcast %jit3A_517 : f32 to vector<16xf32>
      %select_n3A_519 = arith.select %eq3A_516, %broadcast_in_dim3A_518, %scan3A_290 : vector<16xi1>, vector<16xf32>
      scf.yield %select_n3A_434, %select_n3A_439, %select_n3A_444, %select_n3A_449, %select_n3A_454, %select_n3A_459, %select_n3A_464, %select_n3A_469, %select_n3A_474, %select_n3A_479, %select_n3A_484, %select_n3A_489, %select_n3A_494, %select_n3A_499, %select_n3A_504, %select_n3A_509, %select_n3A_514, %select_n3A_519 : vector<16xf32>, vector<16xf32>, vector<16xf32>, vector<16xf32>, vector<16xf32>, vector<16xf32>, vector<16xf32>, vector<16xf32>, vector<16xf32>, vector<16xf32>, vector<16xf32>, vector<16xf32>, vector<16xf32>, vector<16xf32>, vector<16xf32>, vector<16xf32>, vector<16xf32>, vector<16xf32>
    }
    %scan3A_271 = arith.constant 100 : i32
    "tpu.region"() ({
      %run_scoped3A = tpu.sem_alloc : memref<!tpu.dma_semaphore, #tpu.memory_space<semaphore_mem>>
      %dma_start3A = arith.constant 0 : i32
      %dma_start3A_272 = tpu.memref_slice %arg3[%add3A, %dma_start3A] : memref<32x128xf32, #tpu.memory_space<hbm>> -> memref<1x128xf32, #tpu.memory_space<hbm>>
      %dma_start3A_273 = tpu.memref_squeeze %dma_start3A_272 : memref<1x128xf32, #tpu.memory_space<hbm>> -> memref<128xf32, #tpu.memory_space<hbm>>
      %dma_start3A_274 = arith.constant 0 : i32
      %dma_start3A_275 = tpu.memref_slice %arg3[%add3A, %dma_start3A_274] : memref<32x128xf32, #tpu.memory_space<hbm>> -> memref<1x128xf32, #tpu.memory_space<hbm>>
      %dma_start3A_276 = tpu.memref_squeeze %dma_start3A_275 : memref<1x128xf32, #tpu.memory_space<hbm>> -> memref<128xf32, #tpu.memory_space<hbm>>
      tpu.enqueue_dma source(%arg9 : memref<128xf32, #tpu.memory_space<vmem>>) target(%dma_start3A_276 : memref<128xf32, #tpu.memory_space<hbm>>) target_semaphore(%run_scoped3A : memref<!tpu.dma_semaphore, #tpu.memory_space<semaphore_mem>>)
      %dma_wait3A = arith.constant 0 : i32
      %dma_wait3A_277 = tpu.memref_slice %arg3[%add3A, %dma_wait3A] : memref<32x128xf32, #tpu.memory_space<hbm>> -> memref<1x128xf32, #tpu.memory_space<hbm>>
      %dma_wait3A_278 = tpu.memref_squeeze %dma_wait3A_277 : memref<1x128xf32, #tpu.memory_space<hbm>> -> memref<128xf32, #tpu.memory_space<hbm>>
      %dma_wait3A_279 = arith.constant 0 : i32
      %dma_wait3A_280 = tpu.memref_slice %arg3[%add3A, %dma_wait3A_279] : memref<32x128xf32, #tpu.memory_space<hbm>> -> memref<1x128xf32, #tpu.memory_space<hbm>>
      %dma_wait3A_281 = tpu.memref_squeeze %dma_wait3A_280 : memref<1x128xf32, #tpu.memory_space<hbm>> -> memref<128xf32, #tpu.memory_space<hbm>>
      tpu.wait_dma2 semaphore(%run_scoped3A : memref<!tpu.dma_semaphore, #tpu.memory_space<semaphore_mem>>) src(%arg9 : memref<128xf32, #tpu.memory_space<vmem>>) dst(%dma_wait3A_281 : memref<128xf32, #tpu.memory_space<hbm>>)
      tpu.yield
    }) : () -> ()
    "tpu.region"() ({
      %run_scoped3A = tpu.sem_alloc : memref<!tpu.dma_semaphore, #tpu.memory_space<semaphore_mem>>
      %dma_start3A = arith.constant 0 : i32
      %dma_start3A_272 = tpu.memref_slice %arg4[%add3A, %dma_start3A] : memref<32x128xi32, #tpu.memory_space<hbm>> -> memref<1x128xi32, #tpu.memory_space<hbm>>
      %dma_start3A_273 = tpu.memref_squeeze %dma_start3A_272 : memref<1x128xi32, #tpu.memory_space<hbm>> -> memref<128xi32, #tpu.memory_space<hbm>>
      %dma_start3A_274 = arith.constant 0 : i32
      %dma_start3A_275 = tpu.memref_slice %arg4[%add3A, %dma_start3A_274] : memref<32x128xi32, #tpu.memory_space<hbm>> -> memref<1x128xi32, #tpu.memory_space<hbm>>
      %dma_start3A_276 = tpu.memref_squeeze %dma_start3A_275 : memref<1x128xi32, #tpu.memory_space<hbm>> -> memref<128xi32, #tpu.memory_space<hbm>>
      tpu.enqueue_dma source(%arg10 : memref<128xi32, #tpu.memory_space<vmem>>) target(%dma_start3A_276 : memref<128xi32, #tpu.memory_space<hbm>>) target_semaphore(%run_scoped3A : memref<!tpu.dma_semaphore, #tpu.memory_space<semaphore_mem>>)
      %dma_wait3A = arith.constant 0 : i32
      %dma_wait3A_277 = tpu.memref_slice %arg4[%add3A, %dma_wait3A] : memref<32x128xi32, #tpu.memory_space<hbm>> -> memref<1x128xi32, #tpu.memory_space<hbm>>
      %dma_wait3A_278 = tpu.memref_squeeze %dma_wait3A_277 : memref<1x128xi32, #tpu.memory_space<hbm>> -> memref<128xi32, #tpu.memory_space<hbm>>
      %dma_wait3A_279 = arith.constant 0 : i32
      %dma_wait3A_280 = tpu.memref_slice %arg4[%add3A, %dma_wait3A_279] : memref<32x128xi32, #tpu.memory_space<hbm>> -> memref<1x128xi32, #tpu.memory_space<hbm>>
      %dma_wait3A_281 = tpu.memref_squeeze %dma_wait3A_280 : memref<1x128xi32, #tpu.memory_space<hbm>> -> memref<128xi32, #tpu.memory_space<hbm>>
      tpu.wait_dma2 semaphore(%run_scoped3A : memref<!tpu.dma_semaphore, #tpu.memory_space<semaphore_mem>>) src(%arg10 : memref<128xi32, #tpu.memory_space<vmem>>) dst(%dma_wait3A_281 : memref<128xi32, #tpu.memory_space<hbm>>)
      tpu.yield
    }) : () -> ()
    return
  }
}

module attributes {stable_mosaic.version = 14 : i64} {
  func.func @_score_body(%arg0: i32, %arg1: memref<10240x64xf32, #tpu.memory_space<vmem>>, %arg2: memref<64x1xf32, #tpu.memory_space<vmem>>, %arg3: memref<64x1xf32, #tpu.memory_space<vmem>>, %arg4: memref<10240xf32, #tpu.memory_space<vmem>>) attributes {dimension_semantics = [#tpu.dimension_semantics<arbitrary>], iteration_bounds = array<i64: 98>, scalar_prefetch = 0 : i64, scratch_operands = 0 : i64, tpu.core_type = #tpu.core_type<tc>, window_params = [{transform_indices = @transform_0, window_bounds = array<i64: 10240, 64>}, {pipeline_mode = #tpu.pipeline_mode<synchronous>, transform_indices = @transform_1, window_bounds = array<i64: 64, 1>}, {pipeline_mode = #tpu.pipeline_mode<synchronous>, transform_indices = @transform_2, window_bounds = array<i64: 64, 1>}, {transform_indices = @transform_3, window_bounds = array<i64: 10240>}]} {
    %get3A = arith.constant 0 : index
    %get3A_0 = arith.constant 0 : index
    %get3A_1 = vector.load %arg1[%get3A, %get3A_0] : memref<10240x64xf32, #tpu.memory_space<vmem>>, vector<10240x64xf32>
    %get3A_2 = arith.constant 0 : index
    %get3A_3 = arith.constant 0 : index
    %get3A_4 = vector.load %arg2[%get3A_2, %get3A_3] : memref<64x1xf32, #tpu.memory_space<vmem>>, vector<64x1xf32>
    %get3A_5 = arith.constant 0 : index
    %get3A_6 = arith.constant 0 : index
    %get3A_7 = vector.load %arg3[%get3A_5, %get3A_6] : memref<64x1xf32, #tpu.memory_space<vmem>>, vector<64x1xf32>
    %mul3A = arith.mulf %get3A_4, %get3A_4 : vector<64x1xf32>
    %reduce_sum3A = vector.shape_cast %mul3A : vector<64x1xf32> to vector<1x64x1xf32>
    %reduce_sum3A_8 = arith.constant dense<0.000000e+00> : vector<1xf32>
    %reduce_sum3A_9 = vector.multi_reduction <add>, %reduce_sum3A, %reduce_sum3A_8 [1, 2] : vector<1x64x1xf32> to vector<1xf32>
    %reduce_sum3A_10 = vector.shape_cast %reduce_sum3A_9 : vector<1xf32> to vector<1x1x1xf32>
    %reduce_sum3A_11 = vector.extract %reduce_sum3A_10[0, 0, 0] : f32 from vector<1x1x1xf32>
    %sqrt3A = math.sqrt %reduce_sum3A_11 : f32
    %max3A = arith.constant 9.99999993E-9 : f32
    %max3A_12 = arith.maximumf %sqrt3A, %max3A : f32
    %div3A = vector.broadcast %max3A_12 : f32 to vector<64x1xf32>
    %div3A_13 = arith.divf %get3A_4, %div3A : vector<64x1xf32>
    %mul3A_14 = arith.mulf %get3A_1, %get3A_1 : vector<10240x64xf32>
    %convert_element_type3A = arith.truncf %mul3A_14 : vector<10240x64xf32> to vector<10240x64xbf16>
    %convert_element_type3A_15 = arith.extf %convert_element_type3A : vector<10240x64xbf16> to vector<10240x64xf32>
    %sub3A = arith.subf %mul3A_14, %convert_element_type3A_15 : vector<10240x64xf32>
    %dot_general3A = arith.constant dense<0.000000e+00> : vector<10240x1xf32>
    %dot_general3A_16 = tpu.matmul %convert_element_type3A_15, %get3A_7, %dot_general3A {dimension_numbers = #tpu.dot_dimension_numbers<[1], [0], [0], [1], [0, 0, 1, 1], [], []>, transpose_lhs_hint = false} : vector<10240x64xf32>, vector<64x1xf32>, vector<10240x1xf32> -> vector<10240x1xf32>
    %dot_general3A_17 = arith.constant dense<0.000000e+00> : vector<10240x1xf32>
    %dot_general3A_18 = tpu.matmul %sub3A, %get3A_7, %dot_general3A_17 {dimension_numbers = #tpu.dot_dimension_numbers<[1], [0], [0], [1], [0, 0, 1, 1], [], []>, transpose_lhs_hint = false} : vector<10240x64xf32>, vector<64x1xf32>, vector<10240x1xf32> -> vector<10240x1xf32>
    %add3A = arith.addf %dot_general3A_16, %dot_general3A_18 : vector<10240x1xf32>
    %sqrt3A_19 = math.sqrt %add3A : vector<10240x1xf32>
    %max3A_20 = arith.constant 9.99999993E-9 : f32
    %max3A_21 = vector.broadcast %max3A_20 : f32 to vector<10240x1xf32>
    %max3A_22 = arith.maximumf %sqrt3A_19, %max3A_21 : vector<10240x1xf32>
    %div3A_23 = vector.broadcast %max3A_22 : vector<10240x1xf32> to vector<10240x64xf32>
    %div3A_24 = arith.divf %get3A_1, %div3A_23 : vector<10240x64xf32>
    %dot_general3A_25 = arith.constant dense<0.000000e+00> : vector<10240x1xf32>
    %dot_general3A_26 = tpu.matmul %div3A_24, %div3A_13, %dot_general3A_25 {dimension_numbers = #tpu.dot_dimension_numbers<[1], [0], [0], [1], [0, 0, 1, 1], [], []>, transpose_lhs_hint = false} : vector<10240x64xf32>, vector<64x1xf32>, vector<10240x1xf32> -> vector<10240x1xf32>
    %mul3A_27 = arith.constant 10240 : i32
    %mul3A_28 = arith.muli %arg0, %mul3A_27 : i32
    %iota3A = tpu.iota {dimensions = array<i32: 0>} : vector<10240x1xi32>
    %add3A_29 = vector.broadcast %mul3A_28 : i32 to vector<10240x1xi32>
    %add3A_30 = arith.addi %add3A_29, %iota3A : vector<10240x1xi32>
    %lt3A = arith.constant 1000000 : i32
    %lt3A_31 = vector.broadcast %lt3A : i32 to vector<10240x1xi32>
    %lt3A_32 = arith.cmpi slt, %add3A_30, %lt3A_31 : vector<10240x1xi32>
    %jit3A = arith.constant 0xFF800000 : f32
    %broadcast_in_dim3A = vector.broadcast %jit3A : f32 to vector<10240x1xf32>
    %select_n3A = arith.select %lt3A_32, %dot_general3A_26, %broadcast_in_dim3A : vector<10240x1xi1>, vector<10240x1xf32>
    %squeeze3A = vector.shape_cast %select_n3A : vector<10240x1xf32> to vector<10240xf32>
    %swap3A = arith.constant 0 : index
    %swap3A_33 = vector.load %arg4[%swap3A] : memref<10240xf32, #tpu.memory_space<vmem>>, vector<10240xf32>
    tpu.vector_store %arg4[%swap3A], %squeeze3A {strides = array<i32>} : memref<10240xf32, #tpu.memory_space<vmem>>, vector<10240xf32>,
    return
  }
  func.func @transform_0(%arg0: i32) -> (i32, i32) {
    %c0_i32 = arith.constant 0 : i32
    %c0_i32_0 = arith.constant 0 : i32
    return %arg0, %c0_i32 : i32, i32
  }
  func.func @transform_1(%arg0: i32) -> (i32, i32) {
    %c0_i32 = arith.constant 0 : i32
    %c0_i32_0 = arith.constant 0 : i32
    %c0_i32_1 = arith.constant 0 : i32
    return %c0_i32, %c0_i32_0 : i32, i32
  }
  func.func @transform_2(%arg0: i32) -> (i32, i32) {
    %c0_i32 = arith.constant 0 : i32
    %c0_i32_0 = arith.constant 0 : i32
    %c0_i32_1 = arith.constant 0 : i32
    return %c0_i32, %c0_i32_0 : i32, i32
  }
  func.func @transform_3(%arg0: i32) -> i32 {
    %c0_i32 = arith.constant 0 : i32
    return %arg0 : i32
  }
}

</mosaic_0001>

<sc_bundles>
// kernel: kernel.5.cloned.1.call-start
scs
__scs_entry_jumppad:
0x0: {  	(pc) =	sbr.rel $0x88, $3  }
0x1: {  	(tag) =	ssettag $0x0;
	lr =	simm.s32 $0x1  }
0x2: {  	[smem:$0x3F9F] =	sst lr;
	_ =	strace $0xD0000000  }
0x3: {  	_ = 	snop  }
0x4: {  	_ = 	snop  }
0x5: {  	_ = 	snop  }
0x6: {  	_ = 	snop  }
0x7: {  	_ = 	snop  }
__scs_overlays_trampoline_lowered:
0x8: {  	[smem:$0x3FAE] =	sst s0  }
0x9: {  	[smem:$0x3FAF] =	sst s1  }
0xa: {  	[smem:$0x3FB0] =	sst s2  }
0xb: {  	[smem:$0x3FB1] =	sst s3  }
0xc: {  	[smem:$0x3FB2] =	sst s4  }
0xd: {  	[smem:$0x3FB3] =	sst s5  }
0xe: {  	[smem:$0x3FB4] =	sst s6  }
0xf: {  	[smem:$0x3FB5] =	sst s7  }
0x10: {  	[smem:$0x3FB6] =	sst s8  }
0x11: {  	[smem:$0x3FB7] =	sst s9;
	s0 =	simm.s32 @!p0 $0x0  }
0x12: {  	s1 =	sld [smem:$0x3F9D];
	s0 =	simm.s32 @p0 $0x1  }
0x13: {  	[smem:$0x3FB8] =	sst s0;
	s0 =	simm.s32 @!p1 $0x0  }
0x14: {  	s2 =	sld [smem:$0x3F9C];
	s0 =	simm.s32 @p1 $0x1  }
0x15: {  	[smem:$0x3FB9] =	sst s0;
	s0 =	simm.s32 @!p2 $0x0  }
0x16: {  	s3 =	sld [smem:$0x3FDB];
	s0 =	simm.s32 @p2 $0x1  }
0x17: {  	s4 =	simm.s32 $0x1BF5;
	[smem:$0x3FBB] =	sst s0  }
0x18: {  	s0 =	sld [smem:$0x3F9E];
	_ =	swait.ge [sflag:s4], $0x0  }
0x19: {  	s7 =	sld [smem:$0x3F9F]  }
0x1a: {  	s8 =	sadd.s32 $0xFFFFE003, lr  }
0x1b: {  	s9 =	sadd.s32 $0xFFFFFEF7, lr;
	s5 =	simm.s32 $0xFFFFFFFF;
	p2 =	slt.u32 s8, $0xFFFFF086  }
0x1c: {  	p1 =	slt.u32 s9, $0xF7A;
	s5 =	simm.s32 @!p2 $0x0  }
0x1d: {  	s5 =	simm.s32 @p1 $0x1;
	p0 =	seq.s32 s7, s2  }
0x1e: {  	s7 =	smul.u32 @!p0 $0xF7A, s2;
	p2 =	seq.s32 @!p0 s5, $0x0  }
0x1f: {  	s9 =	smul.u32 $0xF7A, s1;
	s8 =	simm.s32 @!p0 $0x1BF5;
	p2 =	por !p2, p0  }
0x20: {  	[sflag:s8] =	ssyncset.s32 @!p0 $0xFFFFF086;
	s6 =	sadd.s32 @!p0 s3, s7;
	s7 =	simm.s32 @!p0 $0x108  }
0x21: {  	s3 =	sadd.s32 s3, s9;
	s6 =	sadd.s32 @!p0 $0x88, s6;
	s7 =	simm.s32 @p2 $0x1082  }
0x22: {  	[simem:s7], [sflag:s8] =	dma.local @!p0 [hbm:s6], $0xF7A  }
0x23: {  	s9 =	sor.u32 $0xD0000000, s2;
	s6 =	simm.s32 $0x108;
	_ =	swait.ge @!p0 [sflag:s8], $0x0  }
0x24: {  	s3 =	sadd.s32 $0x88, s3;
	s6 =	simm.s32 @!p1 $0x1082;
	[sflag:s4] =	ssyncset.s32 $0xFFFFF086  }
0x25: {  	[simem:s6], [sflag:s4] =	dma.local [hbm:s3], $0xF7A  }
0x26: {  	[smem:$0x3F9F] =	sst s1;
	(tag) =	ssettag s2;
	_ =	strace s9  }
0x27: {  	s1 =	sld [smem:$0x3FAF]  }
0x28: {  	s2 =	sld [smem:$0x3FB0]  }
0x29: {  	s4 =	sld [smem:$0x3FB2]  }
0x2a: {  	p0 =	seq.s32 s5, $0x0;
	s5 =	sld [smem:$0x3FB3]  }
0x2b: {  	s6 =	sld [smem:$0x3FB4]  }
0x2c: {  	s7 =	sld [smem:$0x3FB5]  }
0x2d: {  	s3 =	simm.s32 $0x108;
	s8 =	sld [smem:$0x3FB6]  }
0x2e: {  	s3 =	simm.s32 @!p0 $0x1082;
	s9 =	sld [smem:$0x3FB7]  }
0x2f: {  	lr =	sadd.s32 s0, s3;
	s0 =	sld [smem:$0x3FAE]  }
0x30: {  	s3 =	sld [smem:$0x3FB1]  }
0x31: {  	[smem:$0x3FBA] =	sst s10  }
0x32: {  	s10 =	sld [smem:$0x3FB8];
	_ =	sdelay $0x3  }
0x33: {  	p0 =	seq.s32 s10, $0x1;
	s10 =	sld [smem:$0x3FBA];
	_ =	sdelay $0x3  }
0x34: {  	[smem:$0x3FBA] =	sst s10  }
0x35: {  	s10 =	sld [smem:$0x3FB9];
	_ =	sdelay $0x3  }
0x36: {  	p1 =	seq.s32 s10, $0x1;
	s10 =	sld [smem:$0x3FBA];
	_ =	sdelay $0x3  }
0x37: {  	[smem:$0x3FBA] =	sst s10  }
0x38: {  	s10 =	sld [smem:$0x3FBB]  }
0x39: {  	_ = 	snop;
	(pc) =	sbr.ind lr, $3  }
0x3a: {  	_ = 	snop  }
0x3b: {  	_ = 	snop  }
0x3c: {  	p2 =	seq.s32 s10, $0x1;
	s10 =	sld [smem:$0x3FBA]  }
0x3d: {  	_ =	shalt  }
0x3e: {  	_ =	shalt  }
0x3f: {  	_ =	shalt  }
0x40: {  	_ =	shalt  }
0x41: {  	_ =	shalt  }
0x42: {  	_ =	shalt  }
0x43: {  	_ =	shalt  }
0x44: {  	_ =	shalt  }
0x45: {  	_ =	shalt  }
0x46: {  	_ =	shalt  }
0x47: {  	_ =	shalt  }
0x48: {  	_ =	shalt  }
0x49: {  	_ =	shalt  }
0x4a: {  	_ =	shalt  }
0x4b: {  	_ =	shalt  }
0x4c: {  	_ =	shalt  }
0x4d: {  	_ =	shalt  }
0x4e: {  	_ =	shalt  }
0x4f: {  	_ =	shalt  }
0x50: {  	_ =	shalt  }
0x51: {  	_ =	shalt  }
0x52: {  	_ =	shalt  }
0x53: {  	_ =	shalt  }
0x54: {  	_ =	shalt  }
0x55: {  	_ =	shalt  }
0x56: {  	_ =	shalt  }
0x57: {  	_ =	shalt  }
0x58: {  	_ =	shalt  }
0x59: {  	_ =	shalt  }
0x5a: {  	_ =	shalt  }
0x5b: {  	_ =	shalt  }
0x5c: {  	_ =	shalt  }
0x5d: {  	_ =	shalt  }
0x5e: {  	_ =	shalt  }
0x5f: {  	_ =	shalt  }
0x60: {  	_ =	shalt  }
0x61: {  	_ =	shalt  }
0x62: {  	_ =	shalt  }
0x63: {  	_ =	shalt  }
0x64: {  	_ =	shalt  }
0x65: {  	_ =	shalt  }
0x66: {  	_ =	shalt  }
0x67: {  	_ =	shalt  }
0x68: {  	_ =	shalt  }
0x69: {  	_ =	shalt  }
0x6a: {  	_ =	shalt  }
0x6b: {  	_ =	shalt  }
0x6c: {  	_ =	shalt  }
0x6d: {  	_ =	shalt  }
0x6e: {  	_ =	shalt  }
0x6f: {  	_ =	shalt  }
0x70: {  	_ =	shalt  }
0x71: {  	_ =	shalt  }
0x72: {  	_ =	shalt  }
0x73: {  	_ =	shalt  }
0x74: {  	_ =	shalt  }
0x75: {  	_ =	shalt  }
0x76: {  	_ =	shalt  }
0x77: {  	_ =	shalt  }
0x78: {  	_ =	shalt  }
0x79: {  	_ =	shalt  }
0x7a: {  	_ =	shalt  }
0x7b: {  	_ =	shalt  }
0x7c: {  	_ =	shalt  }
0x7d: {  	_ =	shalt  }
0x7e: {  	_ =	shalt  }
0x7f: {  	_ =	shalt  }
0x80: {  	_ =	shalt  }
0x81: {  	_ =	shalt  }
0x82: {  	_ =	shalt  }
0x83: {  	_ =	shalt  }
0x84: {  	_ =	shalt  }
0x85: {  	_ =	shalt  }
0x86: {  	_ =	shalt  }
0x87: {  	_ =	shalt  }
.Lfunc_end0:
.L_simem_size_0:
called_computation_lowered:
.L_overlay_start_0:
0x88: {  	s2 =	sld [smem:$0x3FD9]  }
0x89: {  	s3 =	sld [smem:$0x3FFE];
	_ =	sdelay $0x1  }
0x8a: {  	s1 =	srdreg.scid  }
0x8b: {  	s0 =	sand.u32 $0x1, s1  }
0x8c: {  	s16 =	sshll.u32 s0, $0xA;
	s2 =	sadd.s32 s3, s2  }
0x8d: {  	s2 =	sadd.s32 s2, s16  }
0x8e: {  	[smem:$0x3FC6] =	sst s2  }
0x8f: {  	_ = 	snop  }
0x90: {  	(tm) =	ssettm $0x1  }
0x91: {  	s17 =	sld [smem:$0x3FFB];
	_ =	sdelay $0x3  }
0x92: {  	_ =	strace s17  }
0x93: {  	s2 =	sld [smem:$0x3FFC];
	_ =	sdelay $0x3  }
0x94: {  	_ =	strace s2  }
0x95: {  	s2 =	sld [smem:$0x3FFD];
	_ =	sdelay $0x3  }
0x96: {  	_ =	strace s2  }
0x97: {  	_ =	strace $0x8FFFFFFF  }
0x98: {  	s18 =	sld [smem:$0x3FDB];
	_ =	sdelay $0x1  }
0x99: {  	s19 =	simm.s32 $_scs_section_size  }
0x9a: {  	s4 =	simm.s32 $_size__tile_overlayer_lowered;
	s5 =	simm.s32 $_tile_overlayer_lowered  }
0x9b: {  	s22 =	simm.s32 $0x1BFF;
	s21 =	sshll.u32 s5, $0x1;
	s2 =	sadd.s32 s19, s18  }
0x9c: {  	s6 =	simm.s32 $0x0;
	s20 =	sshll.u32 s4, $0x1;
	s4 =	sadd.s32 s21, s2  }
0x9d: {  	[timem:s6], [sflag:s22] =	dma.local [hbm:s4], s20  }
0x9e: {  	_ =	swait.ge [sflag:s22], s20  }
0x9f: {  	s3 =	ssub.s32 $0x0, s20;
	[sflag:s22] =	ssyncset.done $0x0  }
0xa0: {  	[sflag:s22] =	ssyncadd.s32 s3;
	_ =	sdelay $0x1  }
0xa1: {  	s23 =	simm.s32 $0x1B8B  }
0xa2: {  	_ =	swait.ge [sflag:s23], $0x1  }
0xa3: {  	[sflag:s23] =	ssyncset.done $0x0  }
0xa4: {  	s25 =	simm.s32 $0x1B8E;
	s24 =	sld [smem:$0x3FFE];
	[sflag:s23] =	ssyncadd.s32 $0xFFFFFFFF  }
0xa5: {  	s26 =	simm.s32 $execute0_lowered;
	[smem:$0x3FD2] =	sst s25  }
0xa6: {  	s4 =	sshll.u32 s26, $0x1;
	_ =	strace $0x80000046;
	[dreg:$0x1] =	wrdreg $0xFFFFFFFF  }
0xa7: {  	s28 =	simm.s32 $_size_execute0_lowered;
	s2 =	sadd.s32 s2, s4;
	[dreg:$0x0] =	wrdreg $0x0  }
0xa8: {  	s4 =	sshll.u32 s28, $0x1;
	[dreg:$0x2] =	wrdreg s2  }
0xa9: {  	[dreg:$0x3] =	wrdreg s4  }
0xaa: {  	[dreg:$0x4] =	wrdreg $0xC0  }
0xab: {  	_ =	task [dreg:s6], $0x5FFFF  }
0xac: {  	[dreg:$0x1] =	wrdreg $0xFFFFFFFF  }
0xad: {  	[dreg:$0x0] =	wrdreg $0x60  }
0xae: {  	[dreg:$0x2] =	wrdreg s24  }
0xaf: {  	[dreg:$0x3] =	wrdreg $0x9  }
0xb0: {  	_ =	task.clear_ibuf [dreg:s6], $0x4FFFF;
	_ =	strace $0x90000046  }
0xb1: {  	s29 =	simm.s32 $0x9;
	_ =	strace $0x80000048  }
0xb2: {  	_ =	swait.ge [sflag:s29], $0x1  }
0xb3: {  	[sflag:s29] =	ssyncadd.s32 $0xFFFFFFFF  }
0xb4: {  	_ =	strace $0x90000048  }
0xb5: {  	_ =	sfence  }
0xb6: {  	s30 =	sld [smem:$0x0];
	_ =	sdelay $0x2  }
0xb7: {  	s31 =	sshll.u32 s1, $0xD;
	s1 =	sshrl.u32 s1, $0x2  }
0xb8: {  	s3 =	sand.u32 $0x4000, s31;
	s1 =	sadd.s32 s1, s30  }
0xb9: {  	s0 =	sor.u32 s3, s0;
	s1 =	sshll.u32 s1, $0x11  }
0xba: {  	s0 =	sor.u32 s1, s0  }
0xbb: {  	s0 =	sadd.s32 $0x8F2B, s0  }
0xbc: {  	[sflag:s0] =	ssyncadd.remote.s32 $0x1  }
0xbd: {  	_ =	sfence.sel $0xFFFF  }
0xbe: {  	[dreg:$0x0] =	wrdreg $0xFFFFFFFF;
	(pc) =	sbr.abs _section_cstart, $3  }
0xbf: {  	[dreg:$0x1] =	wrdreg $0xFFFFFFFF  }
0xc0: {  	_ =	task.clear_ibuf [dreg:s6], $0x2FFFF;
	_ =	strace $0x9FFFFFFF  }
0xc1: {  	(tm) =	ssettm $0x7FFFFFFF  }
tec
execute0_lowered:
.L_overlay_start_1:
0x0: {  	(tag) =	ssettag $0x1  }
0x1: {  	v0 =	vlaneseq.u32;
	v1 =	vimm.s32 $0x0  }
0x2: {  	v2 =	vimm.f32 $-Inf;
	v3 =	vor.u32 $0x10, v0;
	v4 =	vor.u32 $0x20, v0  }
0x3: {  	v5 =	vor.u32 $0x30, v0;
	v6 =	vor.u32 $0x40, v0;
	v7 =	vor.u32 $0x50, v0  }
0x4: {  	s1 =	srdreg.scid;
	v8 =	vor.u32 $0x60, v0;
	v9 =	vor.u32 $0x70, v0;
	v11 =	vor.u32 $0x90, v0  }
0x5: {  	s3 =	simm.s32 $0x0;
	s10 =	simm.s32 $0x7C00;
	s11 =	simm.s32 $0x7F00;
	v12 =	vor.u32 $0xA0, v0;
	v13 =	vor.u32 $0xB0, v0;
	v14 =	vor.u32 $0xC0, v0  }
0x6: {  	s0 =	stileid.u32;
	s12 =	simm.s32 $0x7F80;
	[smem:$0x7FF] =	sst s3;
	v15 =	vor.u32 $0xD0, v0;
	v16 =	vor.u32 $0xE0, v0;
	v18 =	vor.u32 $0x80000110, v0  }
0x7: {  	s5 =	rddreg [dreg:$0x0];
	s8 =	sand.u32 $0x1, s1;
	s31 =	sshll.u32 s0, $0x1;
	v19 =	vor.u32 $0x80000100, v0;
	v20 =	vor.u32 $0x800000F0, v0;
	v21 =	vor.u32 $0x800000E0, v0  }
0x8: {  	s13 =	simm.s32 $0x0;
	s1 =	rddreg [dreg:$0x1];
	v22 =	vor.u32 $0x800000D0, v0;
	v23 =	vor.u32 $0x800000C0, v0;
	v24 =	vor.u32 $0x800000B0, v0;
	s4 =	sor.u32 s8, s31  }
0x9: {  	v17 =	vor.u32 $0xF0, v0;
	v25 =	vor.u32 $0x800000A0, v0;
	v26 =	vor.u32 $0x80000090, v0;
	s8 =	ssub.s32 $0x2, s8;
	s2 =	smul.u32 $0x7A80, s4;
	s4 =	sshll.u32 s4, $0x4  }
0xa: {  	v10 =	vor.u32 $0x80, v0;
	v27 =	vor.u32 $0x80000080, v0;
	v28 =	vor.u32 $0x80000070, v0;
	_ =	strace $0x80000047;
	s9 =	sshrl.u32 s8, $0x1;
	s7 =	sadd.s32 s4, s5  }
0xb: {  	v29 =	vor.u32 $0x80000060, v0;
	v30 =	vor.u32 $0x80000050, v0;
	v31 =	vor.u32 $0x80000040, v0;
	s8 =	ssub.s32 s8, s9;
	s9 =	simm.s32 $0x1;
	s6 =	sshrl.u32 s2, $0x3  }
0xc: {  	v32 =	vor.u32 $0x100, v0;
	v33 =	vor.u32 $0x80000030, v0;
	v34 =	vor.u32 $0x80000020, v0;
	s8 =	smax.u32 s8, $0x1;
	s6 =	sadd.s32 s6, s5;
	s5 =	sadd.s32 $0x1FE00, s7  }
0xd: {  	v35 =	vor.u32 $0x110, v0;
	v36 =	vor.u32 $0x80000010, v0;
	v37 =	vor.u32 $0x80000000, v0;
	s4 =	sadd.s32 $0x1400, s6;
	s6 =	sadd.s32 $0x20000, s7;
	s7 =	simm.s32 $0x80000000  }
.LBB2_1:
.Ltmp0:
0xe: {  	(pc) =	sbr.rel .LBB2_2-.Ltmp0, $4  }
0xf: {  	[tilespmem:s3], [sflag:$0x1] =	stream.linear.gather [hbm4b:s4+s3], $0x7A80, $0x38;
	[tilespmem:$0x8000] =	vst v63  }
0x10: {  	_ =	swait.ge [sflag:s9], $0x7A80  }
0x11: {  	s16 =	simm.f32 $-Inf;
	[sflag:s9] =	ssyncset.done $0x0  }
0x12: {  	s15 =	simm.s32 $0x0;
	s14 =	simm.s32 $0x0;
	[sflag:s9] =	ssyncadd.s32 $0xFFFF8580  }
.LBB2_10:
0x13: {  	s17 =	sshll.u32 s14, $0x4  }
0x14: {  	v38 =	vld [tilespmem:s17+$0x0];
	_ =	sdelay $0x4  }
0x15: {  	vm0 =	vgt.f32 v38, s16  }
0x16: {  	v39 =	vmpcnt.ones.xlane vm0;
	_ =	sdelay $0x1  }
0x17: {  	v39 =	vxor.u32 $0x80000000, v39  }
0x18: {  	(xrf0) =	vmax.scan.msk.u32 $0xffff, v39;
	_ =	sdelay $0x5  }
0x19: {  	v39, _, _ =	vpop (xrf0)  }
0x1a: {  	(v2sf) =	vpush v39, $0xF;
	_ =	sdelay $0xa  }
0x1b: {  	s14 =	sadd.s32 $0x1, s14  }
0x1c: {  	p0 =	seq.s32 s14, $0x7A8  }
.Ltmp1:
0x1d: {  	_ = 	snop;
	(pc) =	sbr.rel @p0 .LBB2_11-.Ltmp1, $4  }
0x1e: {  	_ = 	snop  }
0x1f: {  	s17 =	sadd.s32 s2, s17;
	s30 =	spop (v2sf)  }
0x20: {  	v63 =	vor.u32 s17, v0;
	[tilespmem:s15+$0x7A80] =	vst.msk vm0, v38;
	s31 =	sadd.s32 s30, s15  }
0x21: {  	[tilespmem:s15+$0x7C00] =	vst.msk vm0, v63;
	s15 =	sadd.s32 $0x80000000, s31  }
.LBB2_2:
0x22: {  	p0 =	slt.s32 s15, $0x100  }
.Ltmp2:
0x23: {  	_ = 	snop;
	(pc) =	sbr.rel @p0 .LBB2_10-.Ltmp2, $1  }
0x24: {  	_ =	sdelay $0x3  }
0x25: {  	s17 =	simm.s32 $0x7A80  }
0x26: {  	v39 =	vld [tilespmem:s17+$0x0];
	_ =	sdelay $0x2  }
0x27: {  	s16 =	simm.s32 $0x0  }
0x28: {  	v38 =	vmov s15;
	v40 =	vor.u32 s16, v0  }
0x29: {  	vm0 =	vlt.s32 v39, $0x0;
	v41 =	vxor.u32 $0xFFFFFFFF, v39;
	v39 =	vor.u32 $0x80000000, v39  }
0x2a: {  	vm1 =	vlt.s32 v40, v38;
	v39 =	vsel vm0, v41, v39  }
0x2b: {  	s15 =	simm.s32 $0x7D80;
	v39 =	vnsel vm1, $0x0, v39  }
0x2c: {  	s16 =	simm.s32 $0x7A90;
	[tilespmem:s15+$0x0] =	vst v39  }
0x2d: {  	s18 =	simm.s32 $0x20;
	s17 =	simm.s32 $0x10;
	v39 =	vld [tilespmem:s16+$0x0]  }
.LBB2_4:
0x2e: {  	p0 =	seq.s32 s18, $0x110;
	_ =	sdelay $0x2  }
0x2f: {  	v40 =	vor.u32 s17, v0;
	s17 =	smov.u32 s18  }
.Ltmp3:
0x30: {  	vm0 =	vlt.s32 v39, $0x0;
	v41 =	vxor.u32 $0xFFFFFFFF, v39;
	v39 =	vor.u32 $0x80000000, v39;
	(pc) =	sbr.rel @!p0 .LBB2_4-.Ltmp3, $4  }
0x31: {  	vm1 =	vlt.s32 v40, v38;
	v39 =	vsel vm0, v41, v39  }
0x32: {  	s15 =	sadd.s32 $0x10, s15;
	v39 =	vnsel vm1, $0x0, v39  }
0x33: {  	s16 =	sadd.s32 $0x10, s16;
	[tilespmem:s15+$0x0] =	vst v39  }
0x34: {  	s18 =	sadd.s32 $0x10, s18;
	v39 =	vld [tilespmem:s16+$0x0]  }
0x35: {  	_ =	sdelay $0x2  }
0x36: {  	v40 =	vor.u32 s17, v0  }
0x37: {  	vm0 =	vlt.s32 v39, $0x0;
	v41 =	vxor.u32 $0xFFFFFFFF, v39;
	v49 =	vor.u32 $0x80000000, v39  }
0x38: {  	vm1 =	vlt.s32 v40, v38;
	v50 =	vsel vm0, v41, v49  }
0x39: {  	s15 =	sadd.s32 $0x10, s15;
	v38 =	vnsel vm1, $0x0, v50  }
0x3a: {  	[tilespmem:s15+$0x0] =	vst v38  }
0x3b: {  	v38 =	vld [tilespmem:$0x7D80]  }
0x3c: {  	v51 =	vld [tilespmem:$0x7D90]  }
0x3d: {  	v52 =	vld [tilespmem:$0x7DA0]  }
0x3e: {  	v53 =	vld [tilespmem:$0x7DB0]  }
0x3f: {  	s16 =	simm.s32 $0x80000000;
	s15 =	simm.s32 $0x0;
	v42 =	vld [tilespmem:$0x7DC0]  }
0x40: {  	s16 =	sor.u32 s16, s15;
	v43 =	vld [tilespmem:$0x7DD0]  }
0x41: {  	v54 =	vld [tilespmem:$0x7DE0];
	vm10 =	vge.u32 v38, s16;
	vm11 =	vge.u32 v51, s16  }
0x42: {  	v55 =	vld [tilespmem:$0x7DF0];
	vm12 =	vge.u32 v52, s16;
	v44 =	vmpcnt.ones.xlane vm10;
	v45 =	vmpcnt.ones.xlane vm11  }
0x43: {  	v56 =	vld [tilespmem:$0x7E00];
	vm13 =	vge.u32 v53, s16;
	v46 =	vmpcnt.ones.xlane vm12  }
0x44: {  	v58 =	vld [tilespmem:$0x7E10];
	vm14 =	vge.u32 v42, s16;
	v57 =	vmpcnt.ones.xlane vm13;
	v44 =	vadd.s32 v44, v45  }
0x45: {  	v60 =	vld [tilespmem:$0x7E20];
	vm15 =	vge.u32 v43, s16;
	v59 =	vmpcnt.ones.xlane vm14;
	v44 =	vadd.s32 v46, v44  }
0x46: {  	v62 =	vld [tilespmem:$0x7E30];
	vm4 =	vge.u32 v54, s16;
	v61 =	vmpcnt.ones.xlane vm15;
	v44 =	vadd.s32 v57, v44  }
0x47: {  	v48 =	vld [tilespmem:$0x7E40];
	vm5 =	vge.u32 v55, s16;
	v63 =	vmpcnt.ones.xlane vm4;
	v44 =	vadd.s32 v59, v44  }
0x48: {  	v50 =	vld [tilespmem:$0x7E50];
	vm6 =	vge.u32 v56, s16;
	v49 =	vmpcnt.ones.xlane vm5;
	v44 =	vadd.s32 v61, v44  }
0x49: {  	vm7 =	vge.u32 v58, s16;
	v52 =	vld [tilespmem:$0x7E60];
	v51 =	vmpcnt.ones.xlane vm6;
	v44 =	vadd.s32 v63, v44  }
0x4a: {  	vm8 =	vge.u32 v60, s16;
	v54 =	vld [tilespmem:$0x7E70];
	v53 =	vmpcnt.ones.xlane vm7;
	v44 =	vadd.s32 v49, v44  }
0x4b: {  	vm9 =	vge.u32 v62, s16;
	v56 =	vld [tilespmem:$0x7E80];
	v55 =	vmpcnt.ones.xlane vm8;
	v44 =	vadd.s32 v51, v44  }
0x4c: {  	v58 =	vld [tilespmem:$0x7E90];
	vm10 =	vge.u32 v48, s16;
	v57 =	vmpcnt.ones.xlane vm9;
	v44 =	vadd.s32 v53, v44  }
0x4d: {  	vm11 =	vge.u32 v50, s16;
	v59 =	vmpcnt.ones.xlane vm10;
	v44 =	vadd.s32 v55, v44  }
0x4e: {  	vm12 =	vge.u32 v52, s16;
	v61 =	vmpcnt.ones.xlane vm11;
	v60 =	vadd.s32 v57, v44  }
0x4f: {  	vm13 =	vge.u32 v54, s16;
	v42 =	vmpcnt.ones.xlane vm12;
	v41 =	vadd.s32 v59, v60  }
0x50: {  	vm14 =	vge.u32 v56, s16;
	v43 =	vmpcnt.ones.xlane vm13;
	v41 =	vadd.s32 v61, v41  }
0x51: {  	vm15 =	vge.u32 v58, s16;
	v63 =	vmpcnt.ones.xlane vm14;
	v62 =	vadd.s32 v42, v41  }
0x52: {  	v40 =	vmpcnt.ones.xlane vm15;
	v39 =	vadd.s32 v43, v62  }
0x53: {  	v39 =	vadd.s32 v63, v39  }
0x54: {  	v39 =	vadd.s32 v40, v39  }
0x55: {  	v39 =	vxor.u32 $0x80000000, v39  }
0x56: {  	(xrf0) =	vmax.scan.msk.u32 $0xffff, v39;
	_ =	sdelay $0x5  }
0x57: {  	v39, _, _ =	vpop (xrf0)  }
0x58: {  	(v2sf) =	vpush v39, $0xF;
	_ =	sdelay $0xd  }
0x59: {  	s17 =	simm.s32 $0x1;
	s18 =	simm.s32 $0x2;
	v39 =	vld [tilespmem:$0x7D90]  }
.LBB2_6:
0x5a: {  	p0 =	sne.s32 s18, $0x1F;
	v40 =	vld [tilespmem:$0x7DA0];
	s19 =	spop (v2sf)  }
0x5b: {  	v41 =	vld [tilespmem:$0x7DB0];
	p1 =	sgt.u32 s19, $0x80000063  }
0x5c: {  	s19 =	sshrl.u32 s7, s17;
	s17 =	smov.u32 s18;
	v42 =	vld [tilespmem:$0x7DC0];
	s15 =	smov.u32 @p1 s16  }
0x5d: {  	s16 =	sor.u32 s19, s15;
	v43 =	vld [tilespmem:$0x7DD0]  }
0x5e: {  	vm0 =	vge.u32 v38, s16;
	vm1 =	vge.u32 v39, s16;
	v39 =	vld [tilespmem:$0x7DE0]  }
0x5f: {  	v44 =	vmpcnt.ones.xlane vm0;
	v45 =	vmpcnt.ones.xlane vm1;
	vm0 =	vge.u32 v40, s16;
	v40 =	vld [tilespmem:$0x7DF0]  }
0x60: {  	v46 =	vmpcnt.ones.xlane vm0;
	vm0 =	vge.u32 v41, s16;
	v41 =	vld [tilespmem:$0x7E00]  }
0x61: {  	v44 =	vadd.s32 v44, v45;
	v45 =	vmpcnt.ones.xlane vm0;
	vm0 =	vge.u32 v42, s16;
	v42 =	vld [tilespmem:$0x7E10]  }
0x62: {  	v44 =	vadd.s32 v46, v44;
	v46 =	vmpcnt.ones.xlane vm0;
	vm0 =	vge.u32 v43, s16;
	v43 =	vld [tilespmem:$0x7E20]  }
0x63: {  	v44 =	vadd.s32 v45, v44;
	v45 =	vmpcnt.ones.xlane vm0;
	vm0 =	vge.u32 v39, s16;
	v39 =	vld [tilespmem:$0x7E30]  }
0x64: {  	v44 =	vadd.s32 v46, v44;
	v46 =	vmpcnt.ones.xlane vm0;
	vm0 =	vge.u32 v40, s16;
	v40 =	vld [tilespmem:$0x7E40]  }
0x65: {  	v44 =	vadd.s32 v45, v44;
	v45 =	vmpcnt.ones.xlane vm0;
	vm0 =	vge.u32 v41, s16;
	v41 =	vld [tilespmem:$0x7E50]  }
0x66: {  	v44 =	vadd.s32 v46, v44;
	v46 =	vmpcnt.ones.xlane vm0;
	vm0 =	vge.u32 v42, s16;
	v42 =	vld [tilespmem:$0x7E60]  }
0x67: {  	v44 =	vadd.s32 v45, v44;
	v45 =	vmpcnt.ones.xlane vm0;
	vm0 =	vge.u32 v43, s16;
	v43 =	vld [tilespmem:$0x7E70]  }
0x68: {  	v44 =	vadd.s32 v46, v44;
	v46 =	vmpcnt.ones.xlane vm0;
	vm0 =	vge.u32 v39, s16;
	v39 =	vld [tilespmem:$0x7E80]  }
0x69: {  	v44 =	vadd.s32 v45, v44;
	v45 =	vmpcnt.ones.xlane vm0;
	vm0 =	vge.u32 v40, s16;
	v40 =	vld [tilespmem:$0x7E90]  }
0x6a: {  	v44 =	vadd.s32 v46, v44;
	v46 =	vmpcnt.ones.xlane vm0;
	vm0 =	vge.u32 v41, s16  }
0x6b: {  	v41 =	vadd.s32 v45, v44;
	v44 =	vmpcnt.ones.xlane vm0;
	vm0 =	vge.u32 v42, s16  }
0x6c: {  	v41 =	vadd.s32 v46, v41;
	v42 =	vmpcnt.ones.xlane vm0;
	vm0 =	vge.u32 v43, s16  }
0x6d: {  	v41 =	vadd.s32 v44, v41;
	v43 =	vmpcnt.ones.xlane vm0;
	vm0 =	vge.u32 v39, s16  }
0x6e: {  	v39 =	vadd.s32 v42, v41;
	v41 =	vmpcnt.ones.xlane vm0;
	vm0 =	vge.u32 v40, s16  }
0x6f: {  	v39 =	vadd.s32 v43, v39;
	v40 =	vmpcnt.ones.xlane vm0  }
0x70: {  	v39 =	vadd.s32 v41, v39  }
0x71: {  	v39 =	vadd.s32 v40, v39  }
0x72: {  	v39 =	vxor.u32 $0x80000000, v39  }
0x73: {  	(xrf0) =	vmax.scan.msk.u32 $0xffff, v39;
	_ =	sdelay $0x5  }
0x74: {  	v39, _, _ =	vpop (xrf0)  }
0x75: {  	(v2sf) =	vpush v39, $0xF;
	_ =	sdelay $0x9  }
.Ltmp4:
0x76: {  	(pc) =	sbr.rel @p0 .LBB2_6-.Ltmp4, $2  }
0x77: {  	_ =	sdelay $0x2  }
0x78: {  	s18 =	sadd.s32 $0x1, s18;
	v39 =	vld [tilespmem:$0x7D90]  }
0x79: {  	v40 =	vld [tilespmem:$0x7DA0];
	s18 =	spop (v2sf)  }
0x7a: {  	v41 =	vld [tilespmem:$0x7DB0];
	p0 =	sgt.u32 s18, $0x80000063  }
0x7b: {  	s17 =	sshrl.u32 s7, s17;
	v42 =	vld [tilespmem:$0x7DC0];
	s15 =	smov.u32 @p0 s16  }
0x7c: {  	v43 =	vld [tilespmem:$0x7DD0];
	s16 =	sor.u32 s17, s15  }
0x7d: {  	v49 =	vld [tilespmem:$0x7DE0];
	vm0 =	vge.u32 v38, s16;
	vm1 =	vge.u32 v39, s16  }
0x7e: {  	v51 =	vld [tilespmem:$0x7DF0];
	v50 =	vmpcnt.ones.xlane vm0;
	v44 =	vmpcnt.ones.xlane vm1;
	vm0 =	vge.u32 v40, s16  }
0x7f: {  	v52 =	vld [tilespmem:$0x7E00];
	v45 =	vmpcnt.ones.xlane vm0;
	vm0 =	vge.u32 v41, s16  }
0x80: {  	v54 =	vld [tilespmem:$0x7E10];
	v39 =	vadd.s32 v50, v44;
	v53 =	vmpcnt.ones.xlane vm0;
	vm0 =	vge.u32 v42, s16  }
0x81: {  	v56 =	vld [tilespmem:$0x7E20];
	v39 =	vadd.s32 v45, v39;
	v55 =	vmpcnt.ones.xlane vm0;
	vm0 =	vge.u32 v43, s16  }
0x82: {  	v58 =	vld [tilespmem:$0x7E30];
	v39 =	vadd.s32 v53, v39;
	v57 =	vmpcnt.ones.xlane vm0;
	vm0 =	vge.u32 v49, s16  }
0x83: {  	v60 =	vld [tilespmem:$0x7E40];
	v39 =	vadd.s32 v55, v39;
	v59 =	vmpcnt.ones.xlane vm0;
	vm0 =	vge.u32 v51, s16  }
0x84: {  	v62 =	vld [tilespmem:$0x7E50];
	v39 =	vadd.s32 v57, v39;
	v61 =	vmpcnt.ones.xlane vm0;
	vm0 =	vge.u32 v52, s16  }
0x85: {  	v48 =	vld [tilespmem:$0x7E60];
	v39 =	vadd.s32 v59, v39;
	v63 =	vmpcnt.ones.xlane vm0;
	vm0 =	vge.u32 v54, s16  }
0x86: {  	v50 =	vld [tilespmem:$0x7E70];
	v39 =	vadd.s32 v61, v39;
	v49 =	vmpcnt.ones.xlane vm0;
	vm0 =	vge.u32 v56, s16  }
0x87: {  	v52 =	vld [tilespmem:$0x7E80];
	v39 =	vadd.s32 v63, v39;
	v51 =	vmpcnt.ones.xlane vm0;
	vm0 =	vge.u32 v58, s16  }
0x88: {  	v54 =	vld [tilespmem:$0x7E90];
	v39 =	vadd.s32 v49, v39;
	v53 =	vmpcnt.ones.xlane vm0;
	vm0 =	vge.u32 v60, s16  }
0x89: {  	v39 =	vadd.s32 v51, v39;
	v55 =	vmpcnt.ones.xlane vm0;
	vm0 =	vge.u32 v62, s16  }
0x8a: {  	v39 =	vadd.s32 v53, v39;
	v41 =	vmpcnt.ones.xlane vm0;
	vm0 =	vge.u32 v48, s16  }
0x8b: {  	v39 =	vadd.s32 v55, v39;
	v42 =	vmpcnt.ones.xlane vm0;
	vm0 =	vge.u32 v50, s16  }
0x8c: {  	v39 =	vadd.s32 v41, v39;
	v56 =	vmpcnt.ones.xlane vm0;
	vm0 =	vge.u32 v52, s16  }
0x8d: {  	v57 =	vadd.s32 v42, v39;
	v58 =	vmpcnt.ones.xlane vm0;
	vm0 =	vge.u32 v54, s16  }
0x8e: {  	v38 =	vadd.s32 v56, v57;
	v40 =	vmpcnt.ones.xlane vm0  }
0x8f: {  	v38 =	vadd.s32 v58, v38  }
0x90: {  	v38 =	vadd.s32 v40, v38  }
0x91: {  	v38 =	vxor.u32 $0x80000000, v38  }
0x92: {  	(xrf0) =	vmax.scan.msk.u32 $0xffff, v38;
	_ =	sdelay $0x5  }
0x93: {  	v38, _, _ =	vpop (xrf0)  }
0x94: {  	(v2sf) =	vpush v38, $0xF;
	_ =	sdelay $0xc  }
0x95: {  	s26 =	simm.s32 $0x0  }
0x96: {  	v59 =	vld [tilespmem:s26+$0x7D80]  }
0x97: {  	s28 =	spop (v2sf)  }
0x98: {  	p0 =	sgt.u32 s28, $0x80000063  }
0x99: {  	s15 =	smov.u32 @p0 s16  }
0x9a: {  	v38 =	vmov s15  }
0x9b: {  	vm0 =	vge.u32 v59, v38  }
0x9c: {  	v39 =	vsel vm0, $0x1, v1  }
0x9d: {  	(xrf0) =	vadd.scan.msk.s32 $0xffff, v39;
	_ =	sdelay $0x5  }
0x9e: {  	s29 =	simm.s32 $0x0;
	v39, _, _ =	vpop (xrf0)  }
0x9f: {  	v39 =	vadd.s32 s29, v39  }
0xa0: {  	vm1 =	vlt.s32 v39, $0xF1  }
0xa1: {  	vm0 =	vmand vm0, vm1  }
0xa2: {  	v60 =	vmpcnt.ones.xlane vm0;
	_ =	sdelay $0x1  }
0xa3: {  	v39 =	vxor.u32 $0x80000000, v60  }
0xa4: {  	(xrf0) =	vmax.scan.msk.u32 $0xffff, v39;
	_ =	sdelay $0x4  }
0xa5: {  	v61 =	vld [tilespmem:s26+$0x7A80]  }
0xa6: {  	v62 =	vld [tilespmem:s26+$0x7C00];
	v39, _, _ =	vpop (xrf0)  }
0xa7: {  	(v2sf) =	vpush v39, $0xF;
	_ =	sdelay $0x2  }
0xa8: {  	[tilespmem:s29+$0x7A80] =	vst.msk vm0, v61  }
0xa9: {  	s30 =	simm.s32 $0x10;
	[tilespmem:s29+$0x7C00] =	vst.msk vm0, v62  }
0xaa: {  	v39 =	vld [tilespmem:s30+$0x7D80];
	_ =	sdelay $0x4  }
0xab: {  	vm0 =	vge.u32 v39, v38  }
0xac: {  	v63 =	vsel vm0, $0x1, v1  }
0xad: {  	(xrf0) =	vadd.scan.msk.s32 $0xffff, v63;
	_ =	sdelay $0x2  }
0xae: {  	v40 =	vld [tilespmem:s30+$0x7A80];
	s31 =	spop (v2sf)  }
0xaf: {  	s15 =	simm.s32 $0x80;
	v39 =	vld [tilespmem:s30+$0x7C00];
	s16 =	sadd.s32 $0x0, s31  }
.LBB2_8:
0xb0: {  	p0 =	sne.s32 s15, $0x440  }
0xb1: {  	v41, _, _ =	vpop (xrf0);
	s16 =	sadd.s32 $0x80000000, s16;
	s17 =	smov.u32 s15;
	s15 =	sadd.s32 $0x40, s15  }
0xb2: {  	v41 =	vadd.s32 s16, v41  }
0xb3: {  	vm1 =	vlt.s32 v41, $0xF1  }
0xb4: {  	vm0 =	vmand vm0, vm1  }
0xb5: {  	[tilespmem:s16+$0x7A80] =	vst.msk vm0, v40;
	v40 =	vmpcnt.ones.xlane vm0  }
0xb6: {  	[tilespmem:s16+$0x7C00] =	vst.msk vm0, v39  }
0xb7: {  	v39 =	vxor.u32 $0x80000000, v40  }
0xb8: {  	(xrf0) =	vmax.scan.msk.u32 $0xffff, v39;
	_ =	sdelay $0x5  }
0xb9: {  	v39, _, _ =	vpop (xrf0)  }
0xba: {  	(v2sf) =	vpush v39, $0xF;
	_ =	sdelay $0x2  }
0xbb: {  	s17 =	sshra.s32 s17, $0x2  }
0xbc: {  	v40 =	vld [tilespmem:s17+$0x7D80]  }
0xbd: {  	v39 =	vld [tilespmem:s17+$0x7C00];
	_ =	sdelay $0x3  }
0xbe: {  	vm0 =	vge.u32 v40, v38  }
0xbf: {  	v40 =	vsel vm0, $0x1, v1  }
0xc0: {  	(xrf0) =	vadd.scan.msk.s32 $0xffff, v40  }
.Ltmp5:
0xc1: {  	(pc) =	sbr.rel @p0 .LBB2_8-.Ltmp5, $3  }
0xc2: {  	_ =	sdelay $0x1  }
0xc3: {  	s18 =	spop (v2sf)  }
0xc4: {  	v40 =	vld [tilespmem:s17+$0x7A80];
	s16 =	sadd.s32 s18, s16  }
0xc5: {  	v41, _, _ =	vpop (xrf0);
	s15 =	sadd.s32 $0x80000000, s16  }
0xc6: {  	v41 =	vadd.s32 s15, v41  }
0xc7: {  	vm1 =	vlt.s32 v41, $0xF1  }
0xc8: {  	vm0 =	vmand vm0, vm1  }
0xc9: {  	v59 =	vmpcnt.ones.xlane vm0;
	_ =	sdelay $0x1  }
0xca: {  	v41 =	vxor.u32 $0x80000000, v59  }
0xcb: {  	vm15 =	vlt.s32 v38, $0x0;
	v60 =	vand.u32 $0x7FFFFFFF, v38;
	v61 =	vxor.u32 $0xFFFFFFFF, v38;
	(xrf0) =	vmax.scan.msk.u32 $0xffff, v41  }
0xcc: {  	v38 =	vsel vm15, v60, v61  }
0xcd: {  	(xrf0) =	vmax.scan.msk.f32 $0xffff, v38;
	_ =	sdelay $0x3  }
0xce: {  	v62, _, _ =	vpop (xrf0)  }
0xcf: {  	(v2sf) =	vpush v62, $0xF  }
0xd0: {  	v63, _, _ =	vpop (xrf0)  }
0xd1: {  	(v2sf) =	vpush v63, $0xF;
	_ =	sdelay $0xa  }
.Ltmp6:
0xd2: {  	_ = 	snop;
	(pc) =	sbr.rel .LBB2_10-.Ltmp6, $4  }
0xd3: {  	_ = 	snop  }
0xd4: {  	s31 =	spop (v2sf)  }
0xd5: {  	[tilespmem:s15+$0x7A80] =	vst.msk vm0, v40;
	s16 =	sadd.s32 s31, s15  }
0xd6: {  	[tilespmem:s15+$0x7C00] =	vst.msk vm0, v39;
	s15 =	sadd.s32 $0x80000000, s16;
	s16 =	spop (v2sf)  }
.LBB2_11:
0xd7: {  	s16 =	simm.s32 $0x7A80  }
0xd8: {  	v39 =	vld [tilespmem:s16+$0x0];
	_ =	sdelay $0x2  }
0xd9: {  	s31 =	simm.s32 $0x0  }
0xda: {  	v38 =	vmov s15;
	v40 =	vor.u32 s31, v0  }
0xdb: {  	vm0 =	vlt.s32 v39, $0x0;
	v41 =	vxor.u32 $0xFFFFFFFF, v39;
	v39 =	vor.u32 $0x80000000, v39  }
0xdc: {  	vm1 =	vlt.s32 v40, v38;
	v39 =	vsel vm0, v41, v39  }
0xdd: {  	s14 =	simm.s32 $0x7D80;
	v39 =	vnsel vm1, $0x0, v39  }
0xde: {  	s15 =	simm.s32 $0x7A90;
	[tilespmem:s14+$0x0] =	vst v39  }
0xdf: {  	s17 =	simm.s32 $0x20;
	s16 =	simm.s32 $0x10;
	v39 =	vld [tilespmem:s15+$0x0]  }
.LBB2_12:
0xe0: {  	p0 =	seq.s32 s17, $0x110;
	_ =	sdelay $0x2  }
0xe1: {  	v40 =	vor.u32 s16, v0;
	s16 =	smov.u32 s17  }
.Ltmp7:
0xe2: {  	vm0 =	vlt.s32 v39, $0x0;
	v41 =	vxor.u32 $0xFFFFFFFF, v39;
	v39 =	vor.u32 $0x80000000, v39;
	(pc) =	sbr.rel @!p0 .LBB2_12-.Ltmp7, $4  }
0xe3: {  	vm1 =	vlt.s32 v40, v38;
	v39 =	vsel vm0, v41, v39  }
0xe4: {  	s14 =	sadd.s32 $0x10, s14;
	v39 =	vnsel vm1, $0x0, v39  }
0xe5: {  	s15 =	sadd.s32 $0x10, s15;
	[tilespmem:s14+$0x0] =	vst v39  }
0xe6: {  	s17 =	sadd.s32 $0x10, s17;
	v39 =	vld [tilespmem:s15+$0x0]  }
0xe7: {  	_ =	sdelay $0x2  }
0xe8: {  	v40 =	vor.u32 s16, v0  }
0xe9: {  	vm0 =	vlt.s32 v39, $0x0;
	v41 =	vxor.u32 $0xFFFFFFFF, v39;
	v49 =	vor.u32 $0x80000000, v39  }
0xea: {  	vm1 =	vlt.s32 v40, v38;
	v50 =	vsel vm0, v41, v49  }
0xeb: {  	s14 =	sadd.s32 $0x10, s14;
	v38 =	vnsel vm1, $0x0, v50  }
0xec: {  	[tilespmem:s14+$0x0] =	vst v38  }
0xed: {  	v38 =	vld [tilespmem:$0x7D80]  }
0xee: {  	v51 =	vld [tilespmem:$0x7D90]  }
0xef: {  	v52 =	vld [tilespmem:$0x7DA0]  }
0xf0: {  	v53 =	vld [tilespmem:$0x7DB0]  }
0xf1: {  	s15 =	simm.s32 $0x80000000;
	s14 =	simm.s32 $0x0;
	v42 =	vld [tilespmem:$0x7DC0]  }
0xf2: {  	s15 =	sor.u32 s15, s14;
	v43 =	vld [tilespmem:$0x7DD0]  }
0xf3: {  	v54 =	vld [tilespmem:$0x7DE0];
	vm10 =	vge.u32 v38, s15;
	vm11 =	vge.u32 v51, s15  }
0xf4: {  	v55 =	vld [tilespmem:$0x7DF0];
	vm12 =	vge.u32 v52, s15;
	v44 =	vmpcnt.ones.xlane vm10;
	v45 =	vmpcnt.ones.xlane vm11  }
0xf5: {  	v56 =	vld [tilespmem:$0x7E00];
	vm13 =	vge.u32 v53, s15;
	v46 =	vmpcnt.ones.xlane vm12  }
0xf6: {  	v58 =	vld [tilespmem:$0x7E10];
	vm14 =	vge.u32 v42, s15;
	v57 =	vmpcnt.ones.xlane vm13;
	v44 =	vadd.s32 v44, v45  }
0xf7: {  	v60 =	vld [tilespmem:$0x7E20];
	vm15 =	vge.u32 v43, s15;
	v59 =	vmpcnt.ones.xlane vm14;
	v44 =	vadd.s32 v46, v44  }
0xf8: {  	v62 =	vld [tilespmem:$0x7E30];
	vm4 =	vge.u32 v54, s15;
	v61 =	vmpcnt.ones.xlane vm15;
	v44 =	vadd.s32 v57, v44  }
0xf9: {  	v48 =	vld [tilespmem:$0x7E40];
	vm5 =	vge.u32 v55, s15;
	v63 =	vmpcnt.ones.xlane vm4;
	v44 =	vadd.s32 v59, v44  }
0xfa: {  	v50 =	vld [tilespmem:$0x7E50];
	vm6 =	vge.u32 v56, s15;
	v49 =	vmpcnt.ones.xlane vm5;
	v44 =	vadd.s32 v61, v44  }
0xfb: {  	vm7 =	vge.u32 v58, s15;
	v52 =	vld [tilespmem:$0x7E60];
	v51 =	vmpcnt.ones.xlane vm6;
	v44 =	vadd.s32 v63, v44  }
0xfc: {  	vm8 =	vge.u32 v60, s15;
	v54 =	vld [tilespmem:$0x7E70];
	v53 =	vmpcnt.ones.xlane vm7;
	v44 =	vadd.s32 v49, v44  }
0xfd: {  	vm9 =	vge.u32 v62, s15;
	v56 =	vld [tilespmem:$0x7E80];
	v55 =	vmpcnt.ones.xlane vm8;
	v44 =	vadd.s32 v51, v44  }
0xfe: {  	v58 =	vld [tilespmem:$0x7E90];
	vm10 =	vge.u32 v48, s15;
	v57 =	vmpcnt.ones.xlane vm9;
	v44 =	vadd.s32 v53, v44  }
0xff: {  	vm11 =	vge.u32 v50, s15;
	v59 =	vmpcnt.ones.xlane vm10;
	v44 =	vadd.s32 v55, v44  }
0x100: {  	vm12 =	vge.u32 v52, s15;
	v61 =	vmpcnt.ones.xlane vm11;
	v60 =	vadd.s32 v57, v44  }
0x101: {  	vm13 =	vge.u32 v54, s15;
	v42 =	vmpcnt.ones.xlane vm12;
	v41 =	vadd.s32 v59, v60  }
0x102: {  	vm14 =	vge.u32 v56, s15;
	v43 =	vmpcnt.ones.xlane vm13;
	v41 =	vadd.s32 v61, v41  }
0x103: {  	vm15 =	vge.u32 v58, s15;
	v63 =	vmpcnt.ones.xlane vm14;
	v62 =	vadd.s32 v42, v41  }
0x104: {  	v40 =	vmpcnt.ones.xlane vm15;
	v39 =	vadd.s32 v43, v62  }
0x105: {  	v39 =	vadd.s32 v63, v39  }
0x106: {  	v39 =	vadd.s32 v40, v39  }
0x107: {  	v39 =	vxor.u32 $0x80000000, v39  }
0x108: {  	(xrf0) =	vmax.scan.msk.u32 $0xffff, v39;
	_ =	sdelay $0x5  }
0x109: {  	v39, _, _ =	vpop (xrf0)  }
0x10a: {  	(v2sf) =	vpush v39, $0xF;
	_ =	sdelay $0xd  }
0x10b: {  	s16 =	simm.s32 $0x1;
	s17 =	simm.s32 $0x2;
	v39 =	vld [tilespmem:$0x7D90]  }
.LBB2_14:
0x10c: {  	p0 =	sne.s32 s17, $0x1F;
	v40 =	vld [tilespmem:$0x7DA0];
	s18 =	spop (v2sf)  }
0x10d: {  	v41 =	vld [tilespmem:$0x7DB0];
	p1 =	sgt.u32 s18, $0x80000063  }
0x10e: {  	s18 =	sshrl.u32 s7, s16;
	s16 =	smov.u32 s17;
	v42 =	vld [tilespmem:$0x7DC0];
	s14 =	smov.u32 @p1 s15  }
0x10f: {  	s15 =	sor.u32 s18, s14;
	v43 =	vld [tilespmem:$0x7DD0]  }
0x110: {  	vm0 =	vge.u32 v38, s15;
	vm1 =	vge.u32 v39, s15;
	v39 =	vld [tilespmem:$0x7DE0]  }
0x111: {  	v44 =	vmpcnt.ones.xlane vm0;
	v45 =	vmpcnt.ones.xlane vm1;
	vm0 =	vge.u32 v40, s15;
	v40 =	vld [tilespmem:$0x7DF0]  }
0x112: {  	v46 =	vmpcnt.ones.xlane vm0;
	vm0 =	vge.u32 v41, s15;
	v41 =	vld [tilespmem:$0x7E00]  }
0x113: {  	v44 =	vadd.s32 v44, v45;
	v45 =	vmpcnt.ones.xlane vm0;
	vm0 =	vge.u32 v42, s15;
	v42 =	vld [tilespmem:$0x7E10]  }
0x114: {  	v44 =	vadd.s32 v46, v44;
	v46 =	vmpcnt.ones.xlane vm0;
	vm0 =	vge.u32 v43, s15;
	v43 =	vld [tilespmem:$0x7E20]  }
0x115: {  	v44 =	vadd.s32 v45, v44;
	v45 =	vmpcnt.ones.xlane vm0;
	vm0 =	vge.u32 v39, s15;
	v39 =	vld [tilespmem:$0x7E30]  }
0x116: {  	v44 =	vadd.s32 v46, v44;
	v46 =	vmpcnt.ones.xlane vm0;
	vm0 =	vge.u32 v40, s15;
	v40 =	vld [tilespmem:$0x7E40]  }
0x117: {  	v44 =	vadd.s32 v45, v44;
	v45 =	vmpcnt.ones.xlane vm0;
	vm0 =	vge.u32 v41, s15;
	v41 =	vld [tilespmem:$0x7E50]  }
0x118: {  	v44 =	vadd.s32 v46, v44;
	v46 =	vmpcnt.ones.xlane vm0;
	vm0 =	vge.u32 v42, s15;
	v42 =	vld [tilespmem:$0x7E60]  }
0x119: {  	v44 =	vadd.s32 v45, v44;
	v45 =	vmpcnt.ones.xlane vm0;
	vm0 =	vge.u32 v43, s15;
	v43 =	vld [tilespmem:$0x7E70]  }
0x11a: {  	v44 =	vadd.s32 v46, v44;
	v46 =	vmpcnt.ones.xlane vm0;
	vm0 =	vge.u32 v39, s15;
	v39 =	vld [tilespmem:$0x7E80]  }
0x11b: {  	v44 =	vadd.s32 v45, v44;
	v45 =	vmpcnt.ones.xlane vm0;
	vm0 =	vge.u32 v40, s15;
	v40 =	vld [tilespmem:$0x7E90]  }
0x11c: {  	v44 =	vadd.s32 v46, v44;
	v46 =	vmpcnt.ones.xlane vm0;
	vm0 =	vge.u32 v41, s15  }
0x11d: {  	v41 =	vadd.s32 v45, v44;
	v44 =	vmpcnt.ones.xlane vm0;
	vm0 =	vge.u32 v42, s15  }
0x11e: {  	v41 =	vadd.s32 v46, v41;
	v42 =	vmpcnt.ones.xlane vm0;
	vm0 =	vge.u32 v43, s15  }
0x11f: {  	v41 =	vadd.s32 v44, v41;
	v43 =	vmpcnt.ones.xlane vm0;
	vm0 =	vge.u32 v39, s15  }
0x120: {  	v39 =	vadd.s32 v42, v41;
	v41 =	vmpcnt.ones.xlane vm0;
	vm0 =	vge.u32 v40, s15  }
0x121: {  	v39 =	vadd.s32 v43, v39;
	v40 =	vmpcnt.ones.xlane vm0  }
0x122: {  	v39 =	vadd.s32 v41, v39  }
0x123: {  	v39 =	vadd.s32 v40, v39  }
0x124: {  	v39 =	vxor.u32 $0x80000000, v39  }
0x125: {  	(xrf0) =	vmax.scan.msk.u32 $0xffff, v39;
	_ =	sdelay $0x5  }
0x126: {  	v39, _, _ =	vpop (xrf0)  }
0x127: {  	(v2sf) =	vpush v39, $0xF;
	_ =	sdelay $0x9  }
.Ltmp8:
0x128: {  	(pc) =	sbr.rel @p0 .LBB2_14-.Ltmp8, $2  }
0x129: {  	_ =	sdelay $0x2  }
0x12a: {  	s17 =	sadd.s32 $0x1, s17;
	v39 =	vld [tilespmem:$0x7D90]  }
0x12b: {  	v40 =	vld [tilespmem:$0x7DA0];
	s17 =	spop (v2sf)  }
0x12c: {  	v41 =	vld [tilespmem:$0x7DB0];
	p0 =	sgt.u32 s17, $0x80000063  }
0x12d: {  	s16 =	sshrl.u32 s7, s16;
	v42 =	vld [tilespmem:$0x7DC0];
	s14 =	smov.u32 @p0 s15  }
0x12e: {  	v43 =	vld [tilespmem:$0x7DD0];
	s15 =	sor.u32 s16, s14  }
0x12f: {  	v49 =	vld [tilespmem:$0x7DE0];
	vm0 =	vge.u32 v38, s15;
	vm1 =	vge.u32 v39, s15  }
0x130: {  	v51 =	vld [tilespmem:$0x7DF0];
	v50 =	vmpcnt.ones.xlane vm0;
	v44 =	vmpcnt.ones.xlane vm1;
	vm0 =	vge.u32 v40, s15  }
0x131: {  	v52 =	vld [tilespmem:$0x7E00];
	v45 =	vmpcnt.ones.xlane vm0;
	vm0 =	vge.u32 v41, s15  }
0x132: {  	v54 =	vld [tilespmem:$0x7E10];
	v39 =	vadd.s32 v50, v44;
	v53 =	vmpcnt.ones.xlane vm0;
	vm0 =	vge.u32 v42, s15  }
0x133: {  	v56 =	vld [tilespmem:$0x7E20];
	v39 =	vadd.s32 v45, v39;
	v55 =	vmpcnt.ones.xlane vm0;
	vm0 =	vge.u32 v43, s15  }
0x134: {  	v58 =	vld [tilespmem:$0x7E30];
	v39 =	vadd.s32 v53, v39;
	v57 =	vmpcnt.ones.xlane vm0;
	vm0 =	vge.u32 v49, s15  }
0x135: {  	v60 =	vld [tilespmem:$0x7E40];
	v39 =	vadd.s32 v55, v39;
	v59 =	vmpcnt.ones.xlane vm0;
	vm0 =	vge.u32 v51, s15  }
0x136: {  	v62 =	vld [tilespmem:$0x7E50];
	v39 =	vadd.s32 v57, v39;
	v61 =	vmpcnt.ones.xlane vm0;
	vm0 =	vge.u32 v52, s15  }
0x137: {  	v48 =	vld [tilespmem:$0x7E60];
	v39 =	vadd.s32 v59, v39;
	v63 =	vmpcnt.ones.xlane vm0;
	vm0 =	vge.u32 v54, s15  }
0x138: {  	v50 =	vld [tilespmem:$0x7E70];
	v39 =	vadd.s32 v61, v39;
	v49 =	vmpcnt.ones.xlane vm0;
	vm0 =	vge.u32 v56, s15  }
0x139: {  	v52 =	vld [tilespmem:$0x7E80];
	v39 =	vadd.s32 v63, v39;
	v51 =	vmpcnt.ones.xlane vm0;
	vm0 =	vge.u32 v58, s15  }
0x13a: {  	v54 =	vld [tilespmem:$0x7E90];
	v39 =	vadd.s32 v49, v39;
	v53 =	vmpcnt.ones.xlane vm0;
	vm0 =	vge.u32 v60, s15  }
0x13b: {  	v39 =	vadd.s32 v51, v39;
	v55 =	vmpcnt.ones.xlane vm0;
	vm0 =	vge.u32 v62, s15  }
0x13c: {  	v39 =	vadd.s32 v53, v39;
	v41 =	vmpcnt.ones.xlane vm0;
	vm0 =	vge.u32 v48, s15  }
0x13d: {  	v39 =	vadd.s32 v55, v39;
	v42 =	vmpcnt.ones.xlane vm0;
	vm0 =	vge.u32 v50, s15  }
0x13e: {  	v39 =	vadd.s32 v41, v39;
	v56 =	vmpcnt.ones.xlane vm0;
	vm0 =	vge.u32 v52, s15  }
0x13f: {  	v57 =	vadd.s32 v42, v39;
	v58 =	vmpcnt.ones.xlane vm0;
	vm0 =	vge.u32 v54, s15  }
0x140: {  	v38 =	vadd.s32 v56, v57;
	v40 =	vmpcnt.ones.xlane vm0  }
0x141: {  	v38 =	vadd.s32 v58, v38  }
0x142: {  	v38 =	vadd.s32 v40, v38  }
0x143: {  	v38 =	vxor.u32 $0x80000000, v38  }
0x144: {  	(xrf0) =	vmax.scan.msk.u32 $0xffff, v38;
	_ =	sdelay $0x5  }
0x145: {  	v38, _, _ =	vpop (xrf0)  }
0x146: {  	(v2sf) =	vpush v38, $0xF;
	_ =	sdelay $0xc  }
0x147: {  	s26 =	simm.s32 $0x0  }
0x148: {  	v59 =	vld [tilespmem:s26+$0x7D80]  }
0x149: {  	s28 =	spop (v2sf)  }
0x14a: {  	p0 =	sgt.u32 s28, $0x80000063  }
0x14b: {  	s14 =	smov.u32 @p0 s15  }
0x14c: {  	v38 =	vmov s14  }
0x14d: {  	vm0 =	vge.u32 v59, v38  }
0x14e: {  	v39 =	vsel vm0, $0x1, v1  }
0x14f: {  	(xrf0) =	vadd.scan.msk.s32 $0xffff, v39;
	_ =	sdelay $0x5  }
0x150: {  	s29 =	simm.s32 $0x0;
	v39, _, _ =	vpop (xrf0)  }
0x151: {  	v39 =	vadd.s32 s29, v39  }
0x152: {  	vm1 =	vlt.s32 v39, $0xF1  }
0x153: {  	vm0 =	vmand vm0, vm1  }
0x154: {  	v60 =	vmpcnt.ones.xlane vm0;
	_ =	sdelay $0x1  }
0x155: {  	v39 =	vxor.u32 $0x80000000, v60  }
0x156: {  	(xrf0) =	vmax.scan.msk.u32 $0xffff, v39;
	_ =	sdelay $0x4  }
0x157: {  	v61 =	vld [tilespmem:s26+$0x7A80]  }
0x158: {  	v62 =	vld [tilespmem:s26+$0x7C00];
	v39, _, _ =	vpop (xrf0)  }
0x159: {  	(v2sf) =	vpush v39, $0xF;
	_ =	sdelay $0x2  }
0x15a: {  	[tilespmem:s29+$0x7A80] =	vst.msk vm0, v61  }
0x15b: {  	s30 =	simm.s32 $0x10;
	[tilespmem:s29+$0x7C00] =	vst.msk vm0, v62  }
0x15c: {  	v39 =	vld [tilespmem:s30+$0x7D80];
	_ =	sdelay $0x4  }
0x15d: {  	vm0 =	vge.u32 v39, v38  }
0x15e: {  	v63 =	vsel vm0, $0x1, v1  }
0x15f: {  	(xrf0) =	vadd.scan.msk.s32 $0xffff, v63;
	_ =	sdelay $0x2  }
0x160: {  	v40 =	vld [tilespmem:s30+$0x7A80];
	s31 =	spop (v2sf)  }
0x161: {  	s14 =	simm.s32 $0x80;
	v39 =	vld [tilespmem:s30+$0x7C00];
	s15 =	sadd.s32 $0x0, s31  }
.LBB2_16:
0x162: {  	p0 =	sne.s32 s14, $0x440  }
0x163: {  	v41, _, _ =	vpop (xrf0);
	s15 =	sadd.s32 $0x80000000, s15;
	s16 =	smov.u32 s14;
	s14 =	sadd.s32 $0x40, s14  }
0x164: {  	v41 =	vadd.s32 s15, v41  }
0x165: {  	vm1 =	vlt.s32 v41, $0xF1  }
0x166: {  	vm0 =	vmand vm0, vm1  }
0x167: {  	[tilespmem:s15+$0x7A80] =	vst.msk vm0, v40;
	v40 =	vmpcnt.ones.xlane vm0  }
0x168: {  	[tilespmem:s15+$0x7C00] =	vst.msk vm0, v39  }
0x169: {  	v39 =	vxor.u32 $0x80000000, v40  }
0x16a: {  	(xrf0) =	vmax.scan.msk.u32 $0xffff, v39;
	_ =	sdelay $0x5  }
0x16b: {  	v39, _, _ =	vpop (xrf0)  }
0x16c: {  	(v2sf) =	vpush v39, $0xF;
	_ =	sdelay $0x2  }
0x16d: {  	s16 =	sshra.s32 s16, $0x2  }
0x16e: {  	v40 =	vld [tilespmem:s16+$0x7D80]  }
0x16f: {  	v39 =	vld [tilespmem:s16+$0x7C00];
	_ =	sdelay $0x3  }
0x170: {  	vm0 =	vge.u32 v40, v38  }
0x171: {  	v40 =	vsel vm0, $0x1, v1  }
0x172: {  	(xrf0) =	vadd.scan.msk.s32 $0xffff, v40  }
.Ltmp9:
0x173: {  	(pc) =	sbr.rel @p0 .LBB2_16-.Ltmp9, $3  }
0x174: {  	_ =	sdelay $0x1  }
0x175: {  	s17 =	spop (v2sf)  }
0x176: {  	v40 =	vld [tilespmem:s16+$0x7A80];
	s15 =	sadd.s32 s17, s15  }
0x177: {  	v38, _, _ =	vpop (xrf0);
	s14 =	sadd.s32 $0x80000000, s15  }
0x178: {  	v38 =	vadd.s32 s14, v38  }
0x179: {  	vm1 =	vlt.s32 v38, $0xF1  }
0x17a: {  	vm0 =	vmand vm0, vm1  }
0x17b: {  	v49 =	vmpcnt.ones.xlane vm0;
	_ =	sdelay $0x1  }
0x17c: {  	v38 =	vxor.u32 $0x80000000, v49  }
0x17d: {  	(xrf0) =	vmax.scan.msk.u32 $0xffff, v38;
	_ =	sdelay $0x5  }
0x17e: {  	v38, _, _ =	vpop (xrf0)  }
0x17f: {  	(v2sf) =	vpush v38, $0xF;
	_ =	sdelay $0xb  }
0x180: {  	[tilespmem:s14+$0x7A80] =	vst.msk vm0, v40  }
0x181: {  	[tilespmem:s14+$0x7C00] =	vst.msk vm0, v39  }
0x182: {  	v50 =	vld [tilespmem:$0x7A80]  }
0x183: {  	v39 =	vld [tilespmem:$0x7A90];
	s31 =	spop (v2sf)  }
0x184: {  	v40 =	vld [tilespmem:$0x7AA0];
	s14 =	sadd.s32 s31, s14  }
0x185: {  	v42 =	vld [tilespmem:$0x7AB0];
	s14 =	sadd.s32 $0x80000000, s14  }
0x186: {  	v43 =	vld [tilespmem:$0x7AC0];
	v53 =	vmov s14  }
0x187: {  	v44 =	vld [tilespmem:$0x7AD0];
	vm5 =	vgt.s32 v53, v0;
	vm6 =	vgt.s32 v53, v3  }
0x188: {  	v45 =	vld [tilespmem:$0x7AE0];
	vm7 =	vgt.s32 v53, v4;
	v38 =	vnsel vm5, $0xFF800000, v50;
	v39 =	vnsel vm6, $0xFF800000, v39  }
0x189: {  	v46 =	vld [tilespmem:$0x7AF0];
	vm8 =	vgt.s32 v53, v5;
	v41 =	vnsel vm7, $0xFF800000, v40;
	v47 =	vmax.f32 v38, v39  }
0x18a: {  	v48 =	vld [tilespmem:$0x7B00];
	vm9 =	vgt.s32 v53, v6;
	v40 =	vnsel vm8, $0xFF800000, v42;
	v56 =	vmax.f32 v47, v41  }
0x18b: {  	v49 =	vld [tilespmem:$0x7B10];
	vm10 =	vgt.s32 v53, v7;
	v43 =	vnsel vm9, $0xFF800000, v43;
	v47 =	vmax.f32 v56, v40  }
0x18c: {  	vm11 =	vgt.s32 v53, v8;
	v42 =	vnsel vm10, $0xFF800000, v44;
	v50 =	vld [tilespmem:$0x7B20];
	v57 =	vmax.f32 v47, v43  }
0x18d: {  	v51 =	vld [tilespmem:$0x7B30];
	vm12 =	vgt.s32 v53, v9;
	v45 =	vnsel vm11, $0xFF800000, v45;
	v47 =	vmax.f32 v57, v42  }
0x18e: {  	v52 =	vld [tilespmem:$0x7B40];
	vm13 =	vgt.s32 v53, v10;
	v44 =	vnsel vm12, $0xFF800000, v46;
	v58 =	vmax.f32 v47, v45  }
0x18f: {  	v54 =	vld [tilespmem:$0x7B50];
	vm14 =	vgt.s32 v53, v11;
	v47 =	vnsel vm13, $0xFF800000, v48;
	v59 =	vmax.f32 v58, v44  }
0x190: {  	v55 =	vld [tilespmem:$0x7B60];
	vm15 =	vgt.s32 v53, v12;
	v46 =	vnsel vm14, $0xFF800000, v49;
	v48 =	vmax.f32 v59, v47  }
0x191: {  	vm4 =	vgt.s32 v53, v13;
	v56 =	vld [tilespmem:$0x7B70];
	v49 =	vnsel vm15, $0xFF800000, v50;
	v60 =	vmax.f32 v48, v46  }
0x192: {  	vm5 =	vgt.s32 v53, v14;
	v57 =	vld [tilespmem:$0x7B80];
	v48 =	vnsel vm4, $0xFF800000, v51;
	v50 =	vmax.f32 v60, v49  }
0x193: {  	vm6 =	vgt.s32 v53, v15;
	v52 =	vnsel vm5, $0xFF800000, v52;
	v58 =	vld [tilespmem:$0x7B90];
	v51 =	vmax.f32 v50, v48  }
0x194: {  	vm7 =	vgt.s32 v53, v16;
	v50 =	vnsel vm6, $0xFF800000, v54;
	v51 =	vmax.f32 v51, v52  }
0x195: {  	vm8 =	vgt.s32 v53, v17;
	v54 =	vnsel vm7, $0xFF800000, v55;
	v61 =	vmax.f32 v51, v50  }
0x196: {  	vm9 =	vgt.s32 v53, v32;
	v51 =	vnsel vm8, $0xFF800000, v56;
	v62 =	vmax.f32 v61, v54  }
0x197: {  	vm10 =	vgt.s32 v53, v35;
	v55 =	vnsel vm9, $0xFF800000, v57;
	v56 =	vmax.f32 v62, v51  }
0x198: {  	v53 =	vnsel vm10, $0xFF800000, v58;
	v56 =	vmax.f32 v56, v55  }
0x199: {  	v56 =	vmax.f32 v56, v53  }
0x19a: {  	(xrf0) =	vmax.scan.msk.f32 $0xffff, v56;
	_ =	sdelay $0x5  }
0x19b: {  	v56, _, _ =	vpop (xrf0)  }
0x19c: {  	v56 =	vbroadcast v56, $0xF;
	_ =	sdelay $0x1  }
0x19d: {  	vm0 =	veq.f32 v53, v56  }
0x19e: {  	vm11 =	veq.f32 v55, v56;
	v63 =	vnsel vm0, $0x80000120, v18  }
0x19f: {  	vm12 =	veq.f32 v51, v56;
	v57 =	vsel vm11, v19, v63  }
0x1a0: {  	vm13 =	veq.f32 v54, v56;
	v57 =	vsel vm12, v20, v57  }
0x1a1: {  	vm14 =	veq.f32 v50, v56;
	v57 =	vsel vm13, v21, v57  }
0x1a2: {  	vm15 =	veq.f32 v52, v56;
	v57 =	vsel vm14, v22, v57  }
0x1a3: {  	vm4 =	veq.f32 v48, v56;
	v57 =	vsel vm15, v23, v57  }
0x1a4: {  	vm5 =	veq.f32 v49, v56;
	v57 =	vsel vm4, v24, v57  }
0x1a5: {  	vm6 =	veq.f32 v46, v56;
	v57 =	vsel vm5, v25, v57  }
0x1a6: {  	vm7 =	veq.f32 v47, v56;
	v57 =	vsel vm6, v26, v57  }
0x1a7: {  	vm8 =	veq.f32 v44, v56;
	v57 =	vsel vm7, v27, v57  }
0x1a8: {  	vm9 =	veq.f32 v45, v56;
	v57 =	vsel vm8, v28, v57  }
0x1a9: {  	vm10 =	veq.f32 v42, v56;
	v57 =	vsel vm9, v29, v57  }
0x1aa: {  	vm11 =	veq.f32 v43, v56;
	v57 =	vsel vm10, v30, v57  }
0x1ab: {  	vm12 =	veq.f32 v40, v56;
	v57 =	vsel vm11, v31, v57  }
0x1ac: {  	vm13 =	veq.f32 v41, v56;
	v57 =	vsel vm12, v33, v57  }
0x1ad: {  	vm14 =	veq.f32 v39, v56;
	v57 =	vsel vm13, v34, v57  }
0x1ae: {  	vm15 =	veq.f32 v38, v56;
	v57 =	vsel vm14, v36, v57  }
0x1af: {  	v57 =	vsel vm15, v37, v57  }
0x1b0: {  	(xrf0) =	vmin.scan.msk.u32 $0xffff, v57;
	_ =	sdelay $0x2  }
0x1b1: {  	[tilespmem:$0x7F00] =	vst v2  }
0x1b2: {  	[tilespmem:$0x7F80] =	vst v1  }
0x1b3: {  	[tilespmem:$0x7F10] =	vst v2  }
0x1b4: {  	[tilespmem:$0x7F90] =	vst v1;
	v57, _, _ =	vpop (xrf0)  }
0x1b5: {  	[tilespmem:$0x7F20] =	vst v2;
	(v2sf) =	vpush v57, $0xF  }
0x1b6: {  	[tilespmem:$0x7FA0] =	vst v1  }
0x1b7: {  	[tilespmem:$0x7F30] =	vst v2  }
0x1b8: {  	[tilespmem:$0x7FB0] =	vst v1  }
0x1b9: {  	[tilespmem:$0x7F40] =	vst v2  }
0x1ba: {  	[tilespmem:$0x7FC0] =	vst v1  }
0x1bb: {  	[tilespmem:$0x7F50] =	vst v2  }
0x1bc: {  	[tilespmem:$0x7FD0] =	vst v1  }
0x1bd: {  	[tilespmem:$0x7F60] =	vst v2  }
0x1be: {  	[tilespmem:$0x7FE0] =	vst v1  }
0x1bf: {  	[tilespmem:$0x7F70] =	vst v2  }
0x1c0: {  	s15 =	simm.s32 $0x0;
	s16 =	simm.s32 $0x2;
	[tilespmem:$0x7FF0] =	vst v1;
	s14 =	simm.s32 $0x1  }
.LBB2_18:
0x1c1: {  	p0 =	sne.s32 s16, $0x63;
	_ =	sdelay $0x2  }
0x1c2: {  	s17 =	spop (v2sf)  }
0x1c3: {  	s17 =	sxor.u32 $0x80000000, s17  }
0x1c4: {  	v58 =	vmov s15;
	s15 =	smov.u32 s14;
	s14 =	smov.u32 s16;
	v57 =	vmov s17  }
0x1c5: {  	vm0 =	veq.s32 v57, v0;
	vm1 =	veq.s32 v57, v3;
	vm2 =	veq.s32 v57, v4  }
0x1c6: {  	v38 =	vsel vm0, $0xFF800000, v38;
	v39 =	vsel vm1, $0xFF800000, v39;
	v41 =	vsel vm2, $0xFF800000, v41  }
0x1c7: {  	vm0 =	veq.s32 v57, v5;
	vm1 =	veq.s32 v57, v6;
	v59 =	vmax.f32 v38, v39  }
0x1c8: {  	v40 =	vsel vm0, $0xFF800000, v40;
	v43 =	vsel vm1, $0xFF800000, v43;
	v59 =	vmax.f32 v59, v41  }
0x1c9: {  	vm0 =	veq.s32 v57, v7;
	vm1 =	veq.s32 v57, v8;
	v59 =	vmax.f32 v59, v40;
	v60 =	vld.idx.msk [tilespmem:v57+s10+$0x0], $0xffff  }
0x1ca: {  	v42 =	vsel vm0, $0xFF800000, v42;
	v45 =	vsel vm1, $0xFF800000, v45;
	v59 =	vmax.f32 v59, v43;
	[tilespmem:v58+s11+$0x0] =	vst.idx.msk $0x1, v56  }
0x1cb: {  	vm0 =	veq.s32 v57, v9;
	vm1 =	veq.s32 v57, v10;
	v56 =	vmax.f32 v59, v42  }
0x1cc: {  	v44 =	vsel vm0, $0xFF800000, v44;
	v47 =	vsel vm1, $0xFF800000, v47;
	v56 =	vmax.f32 v56, v45  }
0x1cd: {  	vm0 =	veq.s32 v57, v11;
	vm1 =	veq.s32 v57, v12;
	v56 =	vmax.f32 v56, v44  }
0x1ce: {  	v46 =	vsel vm0, $0xFF800000, v46;
	v49 =	vsel vm1, $0xFF800000, v49;
	v56 =	vmax.f32 v56, v47  }
0x1cf: {  	vm0 =	veq.s32 v57, v13;
	vm1 =	veq.s32 v57, v14;
	v56 =	vmax.f32 v56, v46  }
0x1d0: {  	v48 =	vsel vm0, $0xFF800000, v48;
	v52 =	vsel vm1, $0xFF800000, v52;
	v56 =	vmax.f32 v56, v49;
	[tilespmem:v58+s12+$0x0] =	vst.idx.msk $0x1, v60  }
0x1d1: {  	vm0 =	veq.s32 v57, v15;
	vm1 =	veq.s32 v57, v16;
	v56 =	vmax.f32 v56, v48  }
0x1d2: {  	v50 =	vsel vm0, $0xFF800000, v50;
	v54 =	vsel vm1, $0xFF800000, v54;
	v56 =	vmax.f32 v56, v52  }
0x1d3: {  	vm0 =	veq.s32 v57, v17;
	vm1 =	veq.s32 v57, v32;
	v56 =	vmax.f32 v56, v50  }
0x1d4: {  	v51 =	vsel vm0, $0xFF800000, v51;
	v55 =	vsel vm1, $0xFF800000, v55;
	v56 =	vmax.f32 v56, v54  }
0x1d5: {  	vm0 =	veq.s32 v57, v35;
	v56 =	vmax.f32 v56, v51  }
0x1d6: {  	v53 =	vsel vm0, $0xFF800000, v53;
	v56 =	vmax.f32 v56, v55  }
0x1d7: {  	v56 =	vmax.f32 v56, v53  }
0x1d8: {  	(xrf0) =	vmax.scan.msk.f32 $0xffff, v56;
	_ =	sdelay $0x5  }
0x1d9: {  	v56, _, _ =	vpop (xrf0)  }
0x1da: {  	v56 =	vbroadcast v56, $0xF;
	_ =	sdelay $0x1  }
0x1db: {  	vm0 =	veq.f32 v53, v56  }
0x1dc: {  	vm1 =	veq.f32 v55, v56;
	v57 =	vnsel vm0, $0x80000120, v18  }
0x1dd: {  	vm0 =	veq.f32 v51, v56;
	v57 =	vsel vm1, v19, v57  }
0x1de: {  	vm1 =	veq.f32 v54, v56;
	v57 =	vsel vm0, v20, v57  }
0x1df: {  	vm0 =	veq.f32 v50, v56;
	v57 =	vsel vm1, v21, v57  }
0x1e0: {  	vm1 =	veq.f32 v52, v56;
	v57 =	vsel vm0, v22, v57  }
0x1e1: {  	vm0 =	veq.f32 v48, v56;
	v57 =	vsel vm1, v23, v57  }
0x1e2: {  	vm1 =	veq.f32 v49, v56;
	v57 =	vsel vm0, v24, v57  }
0x1e3: {  	vm0 =	veq.f32 v46, v56;
	v57 =	vsel vm1, v25, v57  }
0x1e4: {  	vm1 =	veq.f32 v47, v56;
	v57 =	vsel vm0, v26, v57  }
0x1e5: {  	vm0 =	veq.f32 v44, v56;
	v57 =	vsel vm1, v27, v57  }
0x1e6: {  	vm1 =	veq.f32 v45, v56;
	v57 =	vsel vm0, v28, v57  }
0x1e7: {  	vm0 =	veq.f32 v42, v56;
	v57 =	vsel vm1, v29, v57  }
0x1e8: {  	vm1 =	veq.f32 v43, v56;
	v57 =	vsel vm0, v30, v57  }
0x1e9: {  	vm0 =	veq.f32 v40, v56;
	v57 =	vsel vm1, v31, v57  }
0x1ea: {  	vm1 =	veq.f32 v41, v56;
	v57 =	vsel vm0, v33, v57  }
0x1eb: {  	vm0 =	veq.f32 v39, v56;
	v57 =	vsel vm1, v34, v57  }
0x1ec: {  	vm1 =	veq.f32 v38, v56;
	v57 =	vsel vm0, v36, v57  }
0x1ed: {  	v57 =	vsel vm1, v37, v57  }
0x1ee: {  	(xrf0) =	vmin.scan.msk.u32 $0xffff, v57;
	_ =	sdelay $0x5  }
0x1ef: {  	v57, _, _ =	vpop (xrf0)  }
0x1f0: {  	(v2sf) =	vpush v57, $0xF;
	_ =	sdelay $0x6  }
.Ltmp10:
0x1f1: {  	(pc) =	sbr.rel @p0 .LBB2_18-.Ltmp10, $2  }
0x1f2: {  	_ =	sdelay $0x2  }
0x1f3: {  	s16 =	sadd.s32 $0x1, s16  }
0x1f4: {  	_ =	sdelay $0x2  }
0x1f5: {  	s16 =	spop (v2sf)  }
0x1f6: {  	s16 =	sxor.u32 $0x80000000, s16  }
0x1f7: {  	v57 =	vmov s16  }
0x1f8: {  	vm0 =	veq.s32 v57, v0;
	vm1 =	veq.s32 v57, v3  }
0x1f9: {  	vm2 =	veq.s32 v57, v4;
	v38 =	vsel vm0, $0xFF800000, v38;
	v39 =	vsel vm1, $0xFF800000, v39  }
0x1fa: {  	vm9 =	veq.s32 v57, v5;
	v41 =	vsel vm2, $0xFF800000, v41;
	v58 =	vmax.f32 v38, v39  }
0x1fb: {  	vm10 =	veq.s32 v57, v6;
	v40 =	vsel vm9, $0xFF800000, v40;
	v58 =	vmax.f32 v58, v41  }
0x1fc: {  	vm11 =	veq.s32 v57, v7;
	v43 =	vsel vm10, $0xFF800000, v43;
	v58 =	vmax.f32 v58, v40  }
0x1fd: {  	vm12 =	veq.s32 v57, v8;
	v42 =	vsel vm11, $0xFF800000, v42;
	v58 =	vmax.f32 v58, v43  }
0x1fe: {  	vm13 =	veq.s32 v57, v9;
	v45 =	vsel vm12, $0xFF800000, v45;
	v58 =	vmax.f32 v58, v42  }
0x1ff: {  	vm14 =	veq.s32 v57, v10;
	v44 =	vsel vm13, $0xFF800000, v44;
	v58 =	vmax.f32 v58, v45  }
0x200: {  	vm15 =	veq.s32 v57, v11;
	v47 =	vsel vm14, $0xFF800000, v47;
	v58 =	vmax.f32 v58, v44  }
0x201: {  	vm4 =	veq.s32 v57, v12;
	v46 =	vsel vm15, $0xFF800000, v46;
	v58 =	vmax.f32 v58, v47  }
0x202: {  	vm5 =	veq.s32 v57, v13;
	v49 =	vsel vm4, $0xFF800000, v49;
	v58 =	vmax.f32 v58, v46  }
0x203: {  	vm6 =	veq.s32 v57, v14;
	v48 =	vsel vm5, $0xFF800000, v48;
	v58 =	vmax.f32 v58, v49  }
0x204: {  	vm7 =	veq.s32 v57, v15;
	v52 =	vsel vm6, $0xFF800000, v52;
	v58 =	vmax.f32 v58, v48  }
0x205: {  	vm8 =	veq.s32 v57, v16;
	v50 =	vsel vm7, $0xFF800000, v50;
	v58 =	vmax.f32 v58, v52  }
0x206: {  	v54 =	vsel vm8, $0xFF800000, v54;
	vm9 =	veq.s32 v57, v17;
	v58 =	vmax.f32 v58, v50  }
0x207: {  	vm10 =	veq.s32 v57, v32;
	v51 =	vsel vm9, $0xFF800000, v51;
	v58 =	vmax.f32 v58, v54  }
0x208: {  	vm11 =	veq.s32 v57, v35;
	v55 =	vsel vm10, $0xFF800000, v55;
	v58 =	vmax.f32 v58, v51  }
0x209: {  	v53 =	vsel vm11, $0xFF800000, v53;
	v58 =	vmax.f32 v58, v55  }
0x20a: {  	v58 =	vmax.f32 v58, v53  }
0x20b: {  	(xrf0) =	vmax.scan.msk.f32 $0xffff, v58;
	_ =	sdelay $0x5  }
0x20c: {  	v58, _, _ =	vpop (xrf0)  }
0x20d: {  	v58 =	vbroadcast v58, $0xF;
	_ =	sdelay $0x1  }
0x20e: {  	vm0 =	veq.f32 v53, v58  }
0x20f: {  	vm1 =	veq.f32 v55, v58;
	v53 =	vnsel vm0, $0x80000120, v18  }
0x210: {  	vm12 =	veq.f32 v51, v58;
	v61 =	vsel vm1, v19, v53  }
0x211: {  	vm13 =	veq.f32 v54, v58;
	v51 =	vsel vm12, v20, v61  }
0x212: {  	vm14 =	veq.f32 v50, v58;
	v62 =	vsel vm13, v21, v51  }
0x213: {  	vm15 =	veq.f32 v52, v58;
	v50 =	vsel vm14, v22, v62  }
0x214: {  	vm4 =	veq.f32 v48, v58;
	v63 =	vsel vm15, v23, v50  }
0x215: {  	vm5 =	veq.f32 v49, v58;
	v48 =	vsel vm4, v24, v63  }
0x216: {  	vm6 =	veq.f32 v46, v58;
	v51 =	vsel vm5, v25, v48  }
0x217: {  	vm7 =	veq.f32 v47, v58;
	v46 =	vsel vm6, v26, v51  }
0x218: {  	vm8 =	veq.f32 v44, v58;
	v52 =	vsel vm7, v27, v46  }
0x219: {  	vm9 =	veq.f32 v45, v58;
	v44 =	vsel vm8, v28, v52  }
0x21a: {  	vm10 =	veq.f32 v42, v58;
	v53 =	vsel vm9, v29, v44  }
0x21b: {  	vm11 =	veq.f32 v43, v58;
	v42 =	vsel vm10, v30, v53  }
0x21c: {  	vm12 =	veq.f32 v40, v58;
	v54 =	vsel vm11, v31, v42  }
0x21d: {  	vm13 =	veq.f32 v41, v58;
	v40 =	vsel vm12, v33, v54  }
0x21e: {  	vm14 =	veq.f32 v39, v58;
	v55 =	vsel vm13, v34, v40  }
0x21f: {  	vm15 =	veq.f32 v38, v58;
	v59 =	vsel vm14, v36, v55  }
0x220: {  	v38 =	vsel vm15, v37, v59  }
0x221: {  	(xrf0) =	vmin.scan.msk.u32 $0xffff, v38;
	_ =	sdelay $0x5  }
0x222: {  	v38, _, _ =	vpop (xrf0)  }
0x223: {  	(v2sf) =	vpush v38, $0xF;
	_ =	sdelay $0xe  }
0x224: {  	v60 =	vmov s15;
	s31 =	spop (v2sf)  }
0x225: {  	v61 =	vld.idx.msk [tilespmem:v57+s10+$0x0], $0xffff;
	s15 =	sxor.u32 $0x80000000, s31  }
0x226: {  	v62 =	vmov s15;
	_ =	sdelay $0x2  }
0x227: {  	[tilespmem:v60+s11+$0x0] =	vst.idx.msk $0x1, v56  }
0x228: {  	v63 =	vmov s14;
	[tilespmem:v60+s12+$0x0] =	vst.idx.msk $0x1, v61  }
0x229: {  	v39 =	vld.idx.msk [tilespmem:v62+s10+$0x0], $0xffff;
	_ =	sdelay $0x3  }
0x22a: {  	[tilespmem:v63+s11+$0x0] =	vst.idx.msk $0x1, v58  }
0x22b: {  	[tilespmem:v63+s12+$0x0] =	vst.idx.msk $0x1, v39  }
0x22c: {  	[hbm4b:s5+s3] =	stream.linear.scatter [tilespmem:s11], [sflag:$0x1], $0x80, $0x38;
	[tilespmem:$0x8000] =	vst v63  }
0x22d: {  	s13 =	sadd.s32 $0x1, s13;
	_ =	swait.ge [sflag:s9], $0x80  }
0x22e: {  	p0 =	sne.s32 s13, s8;
	[sflag:s9] =	ssyncset.done $0x0  }
.Ltmp11:
0x22f: {  	[sflag:s9] =	ssyncadd.s32 $0xFFFFFF80;
	(pc) =	sbr.rel @p0 .LBB2_1-.Ltmp11, $4  }
0x230: {  	[hbm4b:s6+s3] =	stream.linear.scatter [tilespmem:s12], [sflag:$0x1], $0x80, $0x38;
	[tilespmem:$0x8000] =	vst v63  }
0x231: {  	_ =	swait.ge [sflag:s9], $0x80  }
0x232: {  	[sflag:s9] =	ssyncset.done $0x0  }
0x233: {  	[sflag:s9] =	ssyncadd.s32 $0xFFFFFF80  }
0x234: {  	_ =	sfence.sel $0x180000  }
0x235: {  	[bflag:$0x0] =	sbarrier.arrive $0xFFFF  }
0x236: {  	p0 =	sne.s32 s0, $0x0;
	_ =	strace $0x90000047  }
0x237: {  	s0 =	sadd.s32 @!p0 $0x100000, s1;
	[bflag:$0x2] =	sbarrier.arrive $0xFFFF  }
0x238: {  	[sflag:s0] =	ssyncadd.tile.s32 @!p0 $0x1;
	_ =	shalt  }
.Lfunc_end2:
_tile_overlayer_lowered:
.L_overlay_start_2:
0x239: {  	(tag) =	ssettag $0x2  }
0x23a: {  	s0 =	rddreg [dreg:$0x0];
	s2 =	stileid.u32  }
0x23b: {  	s1 =	rddreg [dreg:$0x1];
	p0 =	sne.s32 s2, $0x0  }
0x23c: {  	s3 =	rddreg [dreg:$0x2];
	[bflag:$0x3] =	sbarrier.arrive $0xFFFF;
	s2 =	simm.s32 @!p0 $0x1C01  }
0x23d: {  	[timem:s3], [sflag:s2] =	dma.local @!p0 [hbm:s0], s1  }
0x23e: {  	s0 =	simm.s32 @!p0 $0x1  }
0x23f: {  	_ =	swait.ge @!p0 [sflag:s0], s1  }
0x240: {  	s1 =	ssub.s32 @!p0 $0x0, s1;
	[sflag:s0] =	ssyncset.done @!p0 $0x0  }
0x241: {  	[sflag:s0] =	ssyncadd.s32 @!p0 s1  }
0x242: {  	[bflag:$0x3] =	sbarrier.arrive $0xFFFF  }
0x243: {  	_ =	shalt  }

// kernel: kernel.8.cloned.1.call-start
scs
__scs_entry_jumppad:
0x0: {  	(pc) =	sbr.rel $0x88, $3  }
0x1: {  	(tag) =	ssettag $0x0;
	lr =	simm.s32 $0x1  }
0x2: {  	[smem:$0x3F9F] =	sst lr;
	_ =	strace $0xD0000000  }
0x3: {  	_ = 	snop  }
0x4: {  	_ = 	snop  }
0x5: {  	_ = 	snop  }
0x6: {  	_ = 	snop  }
0x7: {  	_ = 	snop  }
__scs_overlays_trampoline_lowered:
0x8: {  	[smem:$0x3FAE] =	sst s0  }
0x9: {  	[smem:$0x3FAF] =	sst s1  }
0xa: {  	[smem:$0x3FB0] =	sst s2  }
0xb: {  	[smem:$0x3FB1] =	sst s3  }
0xc: {  	[smem:$0x3FB2] =	sst s4  }
0xd: {  	[smem:$0x3FB3] =	sst s5  }
0xe: {  	[smem:$0x3FB4] =	sst s6  }
0xf: {  	[smem:$0x3FB5] =	sst s7  }
0x10: {  	[smem:$0x3FB6] =	sst s8  }
0x11: {  	[smem:$0x3FB7] =	sst s9;
	s0 =	simm.s32 @!p0 $0x0  }
0x12: {  	s1 =	sld [smem:$0x3F9D];
	s0 =	simm.s32 @p0 $0x1  }
0x13: {  	[smem:$0x3FB8] =	sst s0;
	s0 =	simm.s32 @!p1 $0x0  }
0x14: {  	s2 =	sld [smem:$0x3F9C];
	s0 =	simm.s32 @p1 $0x1  }
0x15: {  	[smem:$0x3FB9] =	sst s0;
	s0 =	simm.s32 @!p2 $0x0  }
0x16: {  	s3 =	sld [smem:$0x3FDB];
	s0 =	simm.s32 @p2 $0x1  }
0x17: {  	s4 =	simm.s32 $0x1BF5;
	[smem:$0x3FBB] =	sst s0  }
0x18: {  	s0 =	sld [smem:$0x3F9E];
	_ =	swait.ge [sflag:s4], $0x0  }
0x19: {  	s7 =	sld [smem:$0x3F9F]  }
0x1a: {  	s8 =	sadd.s32 $0xFFFFE003, lr  }
0x1b: {  	s9 =	sadd.s32 $0xFFFFFEF7, lr;
	s5 =	simm.s32 $0xFFFFFFFF;
	p2 =	slt.u32 s8, $0xFFFFF086  }
0x1c: {  	p1 =	slt.u32 s9, $0xF7A;
	s5 =	simm.s32 @!p2 $0x0  }
0x1d: {  	s5 =	simm.s32 @p1 $0x1;
	p0 =	seq.s32 s7, s2  }
0x1e: {  	s7 =	smul.u32 @!p0 $0xF7A, s2;
	p2 =	seq.s32 @!p0 s5, $0x0  }
0x1f: {  	s9 =	smul.u32 $0xF7A, s1;
	s8 =	simm.s32 @!p0 $0x1BF5;
	p2 =	por !p2, p0  }
0x20: {  	[sflag:s8] =	ssyncset.s32 @!p0 $0xFFFFF086;
	s6 =	sadd.s32 @!p0 s3, s7;
	s7 =	simm.s32 @!p0 $0x108  }
0x21: {  	s3 =	sadd.s32 s3, s9;
	s6 =	sadd.s32 @!p0 $0x88, s6;
	s7 =	simm.s32 @p2 $0x1082  }
0x22: {  	[simem:s7], [sflag:s8] =	dma.local @!p0 [hbm:s6], $0xF7A  }
0x23: {  	s9 =	sor.u32 $0xD0000000, s2;
	s6 =	simm.s32 $0x108;
	_ =	swait.ge @!p0 [sflag:s8], $0x0  }
0x24: {  	s3 =	sadd.s32 $0x88, s3;
	s6 =	simm.s32 @!p1 $0x1082;
	[sflag:s4] =	ssyncset.s32 $0xFFFFF086  }
0x25: {  	[simem:s6], [sflag:s4] =	dma.local [hbm:s3], $0xF7A  }
0x26: {  	[smem:$0x3F9F] =	sst s1;
	(tag) =	ssettag s2;
	_ =	strace s9  }
0x27: {  	s1 =	sld [smem:$0x3FAF]  }
0x28: {  	s2 =	sld [smem:$0x3FB0]  }
0x29: {  	s4 =	sld [smem:$0x3FB2]  }
0x2a: {  	p0 =	seq.s32 s5, $0x0;
	s5 =	sld [smem:$0x3FB3]  }
0x2b: {  	s6 =	sld [smem:$0x3FB4]  }
0x2c: {  	s7 =	sld [smem:$0x3FB5]  }
0x2d: {  	s3 =	simm.s32 $0x108;
	s8 =	sld [smem:$0x3FB6]  }
0x2e: {  	s3 =	simm.s32 @!p0 $0x1082;
	s9 =	sld [smem:$0x3FB7]  }
0x2f: {  	lr =	sadd.s32 s0, s3;
	s0 =	sld [smem:$0x3FAE]  }
0x30: {  	s3 =	sld [smem:$0x3FB1]  }
0x31: {  	[smem:$0x3FBA] =	sst s10  }
0x32: {  	s10 =	sld [smem:$0x3FB8];
	_ =	sdelay $0x3  }
0x33: {  	p0 =	seq.s32 s10, $0x1;
	s10 =	sld [smem:$0x3FBA];
	_ =	sdelay $0x3  }
0x34: {  	[smem:$0x3FBA] =	sst s10  }
0x35: {  	s10 =	sld [smem:$0x3FB9];
	_ =	sdelay $0x3  }
0x36: {  	p1 =	seq.s32 s10, $0x1;
	s10 =	sld [smem:$0x3FBA];
	_ =	sdelay $0x3  }
0x37: {  	[smem:$0x3FBA] =	sst s10  }
0x38: {  	s10 =	sld [smem:$0x3FBB]  }
0x39: {  	_ = 	snop;
	(pc) =	sbr.ind lr, $3  }
0x3a: {  	_ = 	snop  }
0x3b: {  	_ = 	snop  }
0x3c: {  	p2 =	seq.s32 s10, $0x1;
	s10 =	sld [smem:$0x3FBA]  }
0x3d: {  	_ =	shalt  }
0x3e: {  	_ =	shalt  }
0x3f: {  	_ =	shalt  }
0x40: {  	_ =	shalt  }
0x41: {  	_ =	shalt  }
0x42: {  	_ =	shalt  }
0x43: {  	_ =	shalt  }
0x44: {  	_ =	shalt  }
0x45: {  	_ =	shalt  }
0x46: {  	_ =	shalt  }
0x47: {  	_ =	shalt  }
0x48: {  	_ =	shalt  }
0x49: {  	_ =	shalt  }
0x4a: {  	_ =	shalt  }
0x4b: {  	_ =	shalt  }
0x4c: {  	_ =	shalt  }
0x4d: {  	_ =	shalt  }
0x4e: {  	_ =	shalt  }
0x4f: {  	_ =	shalt  }
0x50: {  	_ =	shalt  }
0x51: {  	_ =	shalt  }
0x52: {  	_ =	shalt  }
0x53: {  	_ =	shalt  }
0x54: {  	_ =	shalt  }
0x55: {  	_ =	shalt  }
0x56: {  	_ =	shalt  }
0x57: {  	_ =	shalt  }
0x58: {  	_ =	shalt  }
0x59: {  	_ =	shalt  }
0x5a: {  	_ =	shalt  }
0x5b: {  	_ =	shalt  }
0x5c: {  	_ =	shalt  }
0x5d: {  	_ =	shalt  }
0x5e: {  	_ =	shalt  }
0x5f: {  	_ =	shalt  }
0x60: {  	_ =	shalt  }
0x61: {  	_ =	shalt  }
0x62: {  	_ =	shalt  }
0x63: {  	_ =	shalt  }
0x64: {  	_ =	shalt  }
0x65: {  	_ =	shalt  }
0x66: {  	_ =	shalt  }
0x67: {  	_ =	shalt  }
0x68: {  	_ =	shalt  }
0x69: {  	_ =	shalt  }
0x6a: {  	_ =	shalt  }
0x6b: {  	_ =	shalt  }
0x6c: {  	_ =	shalt  }
0x6d: {  	_ =	shalt  }
0x6e: {  	_ =	shalt  }
0x6f: {  	_ =	shalt  }
0x70: {  	_ =	shalt  }
0x71: {  	_ =	shalt  }
0x72: {  	_ =	shalt  }
0x73: {  	_ =	shalt  }
0x74: {  	_ =	shalt  }
0x75: {  	_ =	shalt  }
0x76: {  	_ =	shalt  }
0x77: {  	_ =	shalt  }
0x78: {  	_ =	shalt  }
0x79: {  	_ =	shalt  }
0x7a: {  	_ =	shalt  }
0x7b: {  	_ =	shalt  }
0x7c: {  	_ =	shalt  }
0x7d: {  	_ =	shalt  }
0x7e: {  	_ =	shalt  }
0x7f: {  	_ =	shalt  }
0x80: {  	_ =	shalt  }
0x81: {  	_ =	shalt  }
0x82: {  	_ =	shalt  }
0x83: {  	_ =	shalt  }
0x84: {  	_ =	shalt  }
0x85: {  	_ =	shalt  }
0x86: {  	_ =	shalt  }
0x87: {  	_ =	shalt  }
.Lfunc_end0:
.L_simem_size_0:
called_computation.1_lowered:
.L_overlay_start_0:
0x88: {  	s2 =	sld [smem:$0x3FD9]  }
0x89: {  	s3 =	sld [smem:$0x3FFE];
	_ =	sdelay $0x1  }
0x8a: {  	s1 =	srdreg.scid  }
0x8b: {  	s0 =	sand.u32 $0x1, s1  }
0x8c: {  	s14 =	sshll.u32 s0, $0xA;
	s2 =	sadd.s32 s3, s2  }
0x8d: {  	s2 =	sadd.s32 s2, s14  }
0x8e: {  	[smem:$0x3FC6] =	sst s2  }
0x8f: {  	_ = 	snop  }
0x90: {  	s2 =	sld [smem:$0x3FD0];
	_ =	sdelay $0x2  }
0x91: {  	s15 =	simm.s32 $0xA;
	s4 =	simm.s32 $0x10  }
0x92: {  	[smem:s4], [sflag:s15] =	dma.local [hbm:s2], $0x1  }
0x93: {  	_ =	swait.eq [sflag:s15], $0x1  }
0x94: {  	[sflag:s15] =	ssyncset.done $0x0  }
0x95: {  	[sflag:s15] =	ssyncadd.s32 $0xFFFFFFFF  }
0x96: {  	s16 =	sld [smem:$0x11];
	(tm) =	ssettm $0x1  }
0x97: {  	s17 =	sld [smem:$0x3FFB];
	_ =	sdelay $0x3  }
0x98: {  	_ =	strace s17  }
0x99: {  	s3 =	sld [smem:$0x3FFC];
	_ =	sdelay $0x3  }
0x9a: {  	_ =	strace s3  }
0x9b: {  	s3 =	sld [smem:$0x3FFD];
	_ =	sdelay $0x3  }
0x9c: {  	_ =	strace s3  }
0x9d: {  	_ =	strace $0x8FFFFFFF  }
0x9e: {  	s18 =	sld [smem:$0x3FDB];
	_ =	sdelay $0x1  }
0x9f: {  	s19 =	simm.s32 $_scs_section_size  }
0xa0: {  	s5 =	simm.s32 $_size__tile_overlayer_lowered;
	s6 =	simm.s32 $_tile_overlayer_lowered  }
0xa1: {  	s22 =	simm.s32 $0x1BFF;
	s21 =	sshll.u32 s6, $0x1;
	s3 =	sadd.s32 s19, s18  }
0xa2: {  	s7 =	simm.s32 $0x0;
	s20 =	sshll.u32 s5, $0x1;
	s5 =	sadd.s32 s21, s3  }
0xa3: {  	[timem:s7], [sflag:s22] =	dma.local [hbm:s5], s20  }
0xa4: {  	_ =	swait.ge [sflag:s22], s20  }
0xa5: {  	s4 =	ssub.s32 $0x0, s20;
	[sflag:s22] =	ssyncset.done $0x0  }
0xa6: {  	[sflag:s22] =	ssyncadd.s32 s4;
	_ =	sdelay $0x1  }
0xa7: {  	s23 =	simm.s32 $0x1B8B  }
0xa8: {  	_ =	swait.ge [sflag:s23], $0x1  }
0xa9: {  	[sflag:s23] =	ssyncset.done $0x0  }
0xaa: {  	s25 =	simm.s32 $0x1B8E;
	s24 =	sld [smem:$0x3FFE];
	[sflag:s23] =	ssyncadd.s32 $0xFFFFFFFF  }
0xab: {  	s26 =	simm.s32 $execute0_lowered;
	[smem:$0x3FD2] =	sst s25  }
0xac: {  	s5 =	sshll.u32 s26, $0x1;
	_ =	strace $0x80000049;
	[dreg:$0x1] =	wrdreg $0xFFFFFFFF  }
0xad: {  	s28 =	simm.s32 $_size_execute0_lowered;
	s3 =	sadd.s32 s3, s5;
	[dreg:$0x0] =	wrdreg $0x0  }
0xae: {  	s5 =	sshll.u32 s28, $0x1;
	[dreg:$0x2] =	wrdreg s3  }
0xaf: {  	[dreg:$0x3] =	wrdreg s5  }
0xb0: {  	[dreg:$0x4] =	wrdreg $0xC0  }
0xb1: {  	_ =	task [dreg:s7], $0x5FFFF  }
0xb2: {  	[dreg:$0x1] =	wrdreg $0xFFFFFFFF  }
0xb3: {  	[dreg:$0x0] =	wrdreg $0x60  }
0xb4: {  	[dreg:$0x2] =	wrdreg s24  }
0xb5: {  	[dreg:$0x3] =	wrdreg s16  }
0xb6: {  	[dreg:$0x4] =	wrdreg $0x9  }
0xb7: {  	_ =	task.clear_ibuf [dreg:s7], $0x5FFFF;
	_ =	strace $0x90000049  }
0xb8: {  	s29 =	simm.s32 $0x9;
	_ =	strace $0x8000004B  }
0xb9: {  	_ =	swait.ge [sflag:s29], $0x1  }
0xba: {  	[sflag:s29] =	ssyncadd.s32 $0xFFFFFFFF  }
0xbb: {  	_ =	strace $0x9000004B  }
0xbc: {  	_ =	sfence  }
0xbd: {  	s30 =	sld [smem:$0x0];
	_ =	sdelay $0x2  }
0xbe: {  	s31 =	sshll.u32 s1, $0xD;
	s1 =	sshrl.u32 s1, $0x2  }
0xbf: {  	s3 =	sand.u32 $0x4000, s31;
	s1 =	sadd.s32 s1, s30  }
0xc0: {  	s0 =	sor.u32 s3, s0;
	s1 =	sshll.u32 s1, $0x11  }
0xc1: {  	s0 =	sor.u32 s1, s0  }
0xc2: {  	s0 =	sadd.s32 $0x8F2B, s0  }
0xc3: {  	[sflag:s0] =	ssyncadd.remote.s32 $0x1  }
0xc4: {  	_ =	sfence.sel $0xFFFF  }
0xc5: {  	[dreg:$0x0] =	wrdreg $0xFFFFFFFF;
	(pc) =	sbr.abs _section_cstart, $3  }
0xc6: {  	[dreg:$0x1] =	wrdreg $0xFFFFFFFF  }
0xc7: {  	_ =	task.clear_ibuf [dreg:s7], $0x2FFFF;
	_ =	strace $0x9FFFFFFF  }
0xc8: {  	(tm) =	ssettm $0x7FFFFFFF  }
0xc9: {  	_ =	shalt  }
tec
execute0_lowered:
.L_overlay_start_1:
0x0: {  	(tag) =	ssettag $0x1  }
0x1: {  	s0 =	srdreg.scid  }
0x2: {  	s3 =	sand.u32 $0x1, s0;
	s0 =	stileid.u32  }
0x3: {  	s4 =	sshll.u32 s0, $0x1;
	s6 =	ssub.s32 $0x0, s3  }
0x4: {  	p0 =	sne.s32 s4, s6  }
.Ltmp0:
0x5: {  	_ = 	snop;
	(pc) =	sbr.rel @p0 .LBB2_5-.Ltmp0, $4  }
0x6: {  	_ = 	snop  }
0x7: {  	s5 =	rddreg [dreg:$0x0]  }
0x8: {  	s2 =	rddreg [dreg:$0x1]  }
0x9: {  	s1 =	rddreg [dreg:$0x2];
	_ =	strace $0x8000004A  }
0xa: {  	s4 =	ssub.s32 $0x2, s3  }
0xb: {  	s3 =	sadd.s32 $0x1FE00, s5;
	v0 =	vlaneseq.u32;
	s7 =	simm.s32 $0x0;
	s8 =	simm.s32 $0x1  }
0xc: {  	s9 =	simm.s32 $0x1000;
	s10 =	simm.s32 $0x2000;
	s6 =	sshrl.u32 s4, $0x1;
	v0 =	vmul.u32 $0x80, v0  }
0xd: {  	s11 =	simm.s32 $0x2080;
	s12 =	simm.s32 $0x0;
	s6 =	ssub.s32 s4, s6  }
0xe: {  	v1 =	vimm.f32 $-Inf;
	v3 =	vimm.s32 $0x0;
	s4 =	sadd.s32 $0x20000, s5;
	s5 =	sadd.s32 $0x1400, s5;
	s6 =	smax.u32 s6, $0x1;
	v2 =	vor.u32 $0x800, v0  }
.LBB2_2:
0xf: {  	[tilespmem:s7], [sflag:$0x1] =	stream.linear.gather [hbm4b:s3+s7], $0x1000, $0x38;
	[tilespmem:$0x2100] =	vst v63  }
0x10: {  	_ =	swait.ge [sflag:s8], $0x1000  }
0x11: {  	[sflag:s8] =	ssyncset.done $0x0  }
0x12: {  	[sflag:s8] =	ssyncadd.s32 $0xFFFFF000  }
0x13: {  	[tilespmem:s9], [sflag:$0x1] =	stream.linear.gather [hbm4b:s4+s7], $0x1000, $0x38;
	[tilespmem:$0x2100] =	vst v63  }
0x14: {  	_ =	swait.ge [sflag:s8], $0x1000  }
0x15: {  	[sflag:s8] =	ssyncset.done $0x0  }
0x16: {  	[sflag:s8] =	ssyncadd.s32 $0xFFFFF000  }
0x17: {  	[tilespmem:$0x2000] =	vst v1  }
0x18: {  	[tilespmem:$0x2080] =	vst v3  }
0x19: {  	[tilespmem:$0x2010] =	vst v1  }
0x1a: {  	[tilespmem:$0x2090] =	vst v3  }
0x1b: {  	[tilespmem:$0x2020] =	vst v1  }
0x1c: {  	[tilespmem:$0x20A0] =	vst v3  }
0x1d: {  	[tilespmem:$0x2030] =	vst v1  }
0x1e: {  	[tilespmem:$0x20B0] =	vst v3  }
0x1f: {  	[tilespmem:$0x2040] =	vst v1  }
0x20: {  	v4 =	vadd.s32 v2, v3;
	[tilespmem:$0x20C0] =	vst v3  }
0x21: {  	v5 =	vadd.s32 v0, v3;
	[tilespmem:$0x2050] =	vst v1  }
0x22: {  	[tilespmem:$0x20D0] =	vst v3  }
0x23: {  	[tilespmem:$0x2060] =	vst v1  }
0x24: {  	[tilespmem:$0x20E0] =	vst v3  }
0x25: {  	v7 =	vld.idx.msk [tilespmem:v4+s7+$0x0], $0xffff  }
0x26: {  	v8 =	vld.idx.msk [tilespmem:v5+s7+$0x0], $0xffff;
	_ =	sdelay $0x4  }
0x27: {  	v6 =	vmax.f32 v8, v7  }
0x28: {  	(xrf0) =	vmax.scan.msk.f32 $0xffff, v6;
	_ =	sdelay $0x5  }
0x29: {  	v6, _, _ =	vpop (xrf0)  }
0x2a: {  	v6 =	vbroadcast v6, $0xF;
	_ =	sdelay $0x1  }
0x2b: {  	vm0 =	veq.f32 v8, v6;
	vm1 =	veq.f32 v7, v6  }
0x2c: {  	v7 =	vnsel vm0, $0x1000, v5;
	v8 =	vnsel vm1, $0x1000, v4  }
0x2d: {  	vm0 =	vlt.s32 v7, v8  }
0x2e: {  	v7 =	vsel vm0, v7, v8  }
0x2f: {  	v7 =	vxor.u32 $0x80000000, v7  }
0x30: {  	(xrf0) =	vmin.scan.msk.u32 $0xffff, v7;
	_ =	sdelay $0x5  }
0x31: {  	v7, _, _ =	vpop (xrf0)  }
0x32: {  	(v2sf) =	vpush v7, $0xF;
	_ =	sdelay $0xe  }
0x33: {  	s13 =	spop (v2sf)  }
0x34: {  	s13 =	sxor.u32 $0x80000000, s13  }
0x35: {  	v7 =	vmov s13;
	_ =	sdelay $0x2  }
0x36: {  	vm15 =	veq.s32 v4, s13  }
0x37: {  	v10 =	vmov s7;
	vm14 =	veq.s32 v5, s13;
	v5 =	vsel vm15, $0x1, v3  }
0x38: {  	v4 =	vsel vm14, $0x1, v3;
	v5 =	vadd.s32 v5, v3;
	v9 =	vld.idx.msk [tilespmem:v7+s9+$0x0], $0xffff  }
0x39: {  	v4 =	vadd.s32 v4, v3;
	v7 =	vadd.s32 v2, v5  }
0x3a: {  	s14 =	simm.s32 $0x2;
	s13 =	simm.s32 $0x1;
	v8 =	vadd.s32 v0, v4  }
.LBB2_3:
0x3b: {  	p0 =	sne.s32 s14, $0x63  }
0x3c: {  	[tilespmem:v10+s10+$0x0] =	vst.idx.msk $0x1, v6  }
0x3d: {  	[tilespmem:v10+s11+$0x0] =	vst.idx.msk $0x1, v9  }
0x3e: {  	v9 =	vld.idx.msk [tilespmem:v7+s7+$0x0], $0xffff  }
0x3f: {  	v10 =	vld.idx.msk [tilespmem:v8+s7+$0x0], $0xffff;
	_ =	sdelay $0x5  }
0x40: {  	v6 =	vmax.f32 v10, v9  }
0x41: {  	(xrf0) =	vmax.scan.msk.f32 $0xffff, v6;
	_ =	sdelay $0x5  }
0x42: {  	v6, _, _ =	vpop (xrf0)  }
0x43: {  	v6 =	vbroadcast v6, $0xF;
	_ =	sdelay $0x1  }
0x44: {  	vm0 =	veq.f32 v10, v6;
	vm1 =	veq.f32 v9, v6  }
0x45: {  	v9 =	vnsel vm0, $0x1000, v8;
	v10 =	vnsel vm1, $0x1000, v7  }
0x46: {  	vm0 =	vlt.s32 v9, v10  }
0x47: {  	v9 =	vsel vm0, v9, v10  }
0x48: {  	v9 =	vxor.u32 $0x80000000, v9  }
0x49: {  	(xrf0) =	vmin.scan.msk.u32 $0xffff, v9;
	_ =	sdelay $0x5  }
0x4a: {  	v9, _, _ =	vpop (xrf0)  }
0x4b: {  	(v2sf) =	vpush v9, $0xF;
	_ =	sdelay $0xe  }
0x4c: {  	s15 =	spop (v2sf)  }
0x4d: {  	s15 =	sxor.u32 $0x80000000, s15  }
0x4e: {  	v9 =	vmov s15;
	vm0 =	veq.s32 v8, s15;
	vm1 =	veq.s32 v7, s15  }
0x4f: {  	v7 =	vsel vm0, $0x1, v3;
	v8 =	vsel vm1, $0x1, v3  }
0x50: {  	v4 =	vadd.s32 v7, v4;
	v5 =	vadd.s32 v8, v5;
	_ =	sdelay $0x1  }
.Ltmp1:
0x51: {  	(pc) =	sbr.rel @p0 .LBB2_3-.Ltmp1, $3  }
0x52: {  	v10 =	vmov s13;
	s13 =	smov.u32 s14;
	v9 =	vld.idx.msk [tilespmem:v9+s9+$0x0], $0xffff;
	_ =	sdelay $0x1  }
0x53: {  	v7 =	vadd.s32 v2, v5  }
0x54: {  	s14 =	sadd.s32 $0x1, s14;
	v8 =	vadd.s32 v0, v4  }
0x55: {  	_ =	sdelay $0x3  }
0x56: {  	[tilespmem:v10+s10+$0x0] =	vst.idx.msk $0x1, v6  }
0x57: {  	[tilespmem:v10+s11+$0x0] =	vst.idx.msk $0x1, v9  }
0x58: {  	v4 =	vld.idx.msk [tilespmem:v7+s7+$0x0], $0xffff  }
0x59: {  	v5 =	vld.idx.msk [tilespmem:v8+s7+$0x0], $0xffff;
	_ =	sdelay $0x4  }
0x5a: {  	v63 =	vmax.f32 v5, v4  }
0x5b: {  	(xrf0) =	vmax.scan.msk.f32 $0xffff, v63;
	_ =	sdelay $0x5  }
0x5c: {  	v6, _, _ =	vpop (xrf0)  }
0x5d: {  	v6 =	vbroadcast v6, $0xF;
	_ =	sdelay $0x1  }
0x5e: {  	vm0 =	veq.f32 v5, v6;
	vm1 =	veq.f32 v4, v6  }
0x5f: {  	v4 =	vnsel vm0, $0x1000, v8;
	v5 =	vnsel vm1, $0x1000, v7  }
0x60: {  	vm0 =	vlt.s32 v4, v5  }
0x61: {  	v4 =	vsel vm0, v4, v5  }
0x62: {  	v4 =	vxor.u32 $0x80000000, v4  }
0x63: {  	(xrf0) =	vmin.scan.msk.u32 $0xffff, v4;
	_ =	sdelay $0x5  }
0x64: {  	v4, _, _ =	vpop (xrf0)  }
0x65: {  	(v2sf) =	vpush v4, $0xF;
	_ =	sdelay $0xe  }
0x66: {  	s14 =	spop (v2sf)  }
0x67: {  	s14 =	sxor.u32 $0x80000000, s14  }
0x68: {  	v4 =	vmov s14;
	_ =	sdelay $0x3  }
0x69: {  	v5 =	vmov s13  }
0x6a: {  	v4 =	vld.idx.msk [tilespmem:v4+s9+$0x0], $0xffff;
	_ =	sdelay $0x3  }
0x6b: {  	[tilespmem:v5+s10+$0x0] =	vst.idx.msk $0x1, v6  }
0x6c: {  	[tilespmem:v5+s11+$0x0] =	vst.idx.msk $0x1, v4  }
0x6d: {  	[hbm4b:s2+s7] =	stream.linear.scatter [tilespmem:s10], [sflag:$0x1], $0x80, $0x38;
	[tilespmem:$0x2100] =	vst v63  }
0x6e: {  	s12 =	sadd.s32 $0x1, s12;
	_ =	swait.ge [sflag:s8], $0x80  }
0x6f: {  	p0 =	sne.s32 s12, s6;
	[sflag:s8] =	ssyncset.done $0x0  }
.Ltmp2:
0x70: {  	[sflag:s8] =	ssyncadd.s32 $0xFFFFFF80;
	(pc) =	sbr.rel @p0 .LBB2_2-.Ltmp2, $4  }
0x71: {  	[hbm4b:s5+s7] =	stream.linear.scatter [tilespmem:s11], [sflag:$0x1], $0x80, $0x38;
	[tilespmem:$0x2100] =	vst v63  }
0x72: {  	_ =	swait.ge [sflag:s8], $0x80  }
0x73: {  	[sflag:s8] =	ssyncset.done $0x0  }
0x74: {  	[sflag:s8] =	ssyncadd.s32 $0xFFFFFF80  }
.LBB2_5:
0x75: {  	_ =	sfence.sel $0x180000  }
0x76: {  	[bflag:$0x0] =	sbarrier.arrive $0xFFFF  }
0x77: {  	p0 =	sne.s32 s0, $0x0;
	_ =	strace $0x9000004A  }
0x78: {  	s0 =	sadd.s32 @!p0 $0x100000, s1;
	[bflag:$0x2] =	sbarrier.arrive $0xFFFF  }
0x79: {  	[sflag:s0] =	ssyncadd.tile.s32 @!p0 $0x1;
	_ =	shalt  }
.Lfunc_end2:
_tile_overlayer_lowered:
.L_overlay_start_2:
0x7a: {  	(tag) =	ssettag $0x2  }
0x7b: {  	s0 =	rddreg [dreg:$0x0];
	s2 =	stileid.u32  }
0x7c: {  	s1 =	rddreg [dreg:$0x1];
	p0 =	sne.s32 s2, $0x0  }
0x7d: {  	s3 =	rddreg [dreg:$0x2];
	[bflag:$0x3] =	sbarrier.arrive $0xFFFF;
	s2 =	simm.s32 @!p0 $0x1C01  }
0x7e: {  	[timem:s3], [sflag:s2] =	dma.local @!p0 [hbm:s0], s1  }
0x7f: {  	s0 =	simm.s32 @!p0 $0x1  }
0x80: {  	_ =	swait.ge @!p0 [sflag:s0], s1  }
0x81: {  	s1 =	ssub.s32 @!p0 $0x0, s1;
	[sflag:s0] =	ssyncset.done @!p0 $0x0  }
0x82: {  	[sflag:s0] =	ssyncadd.s32 @!p0 s1  }
0x83: {  	[bflag:$0x3] =	sbarrier.arrive $0xFFFF  }
0x84: {  	_ =	shalt  }

</sc_bundles>
